<compile_context>
chip_gen: v7x
topology: tpu7x:2x2x1
jax: 0.10.2.dev20260603
libtpu: 0.0.44.dev20260713+nightly
codegen_flags: <defaults>
</compile_context>

<pallas_src>
import functools

import jax
import jax.numpy as jnp
from jax import lax
from jax.experimental import pallas as pl
from jax.experimental.pallas import tpu as pltpu
from jax.experimental.pallas import tpu_sc as plsc

E = 500000
N = 100000
D = 128
NC, NS, L = 2, 16, 16
NW = NC * NS
CHUNK = 15744
TAIL = E - (NW - 1) * CHUNK
PAD_IDX = N
H = 102400
HS = H // NS
C = 12800
G = H // C


_sc_mesh = plsc.VectorSubcoreMesh(
    core_axis_name="c", subcore_axis_name="s", num_cores=NC, num_subcores=NS)


@functools.partial(
    pl.kernel,
    out_type=jax.ShapeDtypeStruct((NC, H), jnp.float32),
    mesh=_sc_mesh,
    scratch_types=[
        pltpu.VMEM((CHUNK,), jnp.int32),
        pltpu.VMEM((CHUNK,), jnp.float32),
        pltpu.VMEM((HS,), jnp.float32),
        pltpu.VMEM_SHARED((H,), jnp.float32),
        pltpu.SemaphoreType.DMA,
    ],
    compiler_params=pltpu.CompilerParams(needs_layout_passes=False),
)
def _sc_hist(neighs_hbm, out_hbm, idx_v, ones_v, zbuf_v, hist_sh, sem):
    cid = lax.axis_index("c")
    sid = lax.axis_index("s")
    wid = sid * NC + cid

    @pl.when(wid < NW - 1)
    def _load_full():
        pltpu.async_copy(neighs_hbm.at[pl.ds(wid * CHUNK, CHUNK)], idx_v, sem)

    @pl.when(wid == NW - 1)
    def _load_tail():
        pltpu.async_copy(neighs_hbm.at[pl.ds((NW - 1) * CHUNK, TAIL)],
                         idx_v.at[pl.ds(0, TAIL)], sem)

    ones = jnp.full((L,), 1.0, jnp.float32)
    zeros = jnp.zeros((L,), jnp.float32)

    def fill_body(j, _):
        ones_v[pl.ds(j * L, L)] = ones
        return 0

    lax.fori_loop(0, CHUNK // L, fill_body, 0, unroll=8)

    def zero_body(i, _):
        zbuf_v[pl.ds(i * L, L)] = zeros
        return 0

    lax.fori_loop(0, HS // L, zero_body, 0, unroll=8)
    pltpu.sync_copy(zbuf_v, hist_sh.at[pl.ds(sid * HS, HS)])

    @pl.when(wid < NW - 1)
    def _wait_full():
        pltpu.make_async_copy(
            neighs_hbm.at[pl.ds(wid * CHUNK, CHUNK)], idx_v, sem).wait()

    @pl.when(wid == NW - 1)
    def _wait_tail():
        pltpu.make_async_copy(
            neighs_hbm.at[pl.ds((NW - 1) * CHUNK, TAIL)],
            idx_v.at[pl.ds(0, TAIL)], sem).wait()
        lane = lax.iota(jnp.int32, L)

        def pad_body(i, _):
            off = (i * L) % (H - N - L)
            idx_v[pl.ds(TAIL + i * L, L)] = PAD_IDX + off + lane
            return 0

        lax.fori_loop(0, (CHUNK - TAIL) // L, pad_body, 0, unroll=8)

    plsc.subcore_barrier()

    pltpu.sync_copy(ones_v, hist_sh.at[idx_v], add=True)
    plsc.subcore_barrier()

    @pl.when(sid == 0)
    def _writeback():
        pltpu.sync_copy(hist_sh, out_hbm.at[cid])


def _tc_body(hist_ref, feat_ref, out_ref):
    g = pl.program_id(0)

    @pl.when(g == 0)
    def _init():
        out_ref[...] = jnp.zeros_like(out_ref)

    c = jnp.sum(hist_ref[...], axis=0, keepdims=True)
    f = feat_ref[...]
    row = g * C + lax.broadcasted_iota(jnp.int32, (C, D), 0)
    f = jnp.where(row < N, f, 0.0)
    out_ref[...] += lax.dot_general(
        c, f, (((1,), (0,)), ((), ())), preferred_element_type=jnp.float32)

    @pl.when(g == G - 1)
    def _scale():
        out_ref[...] *= jnp.float32(1.0 / E)


_tc_matvec = pl.pallas_call(
    _tc_body,
    grid=(G,),
    in_specs=[
        pl.BlockSpec((NC, C), lambda g: (0, g)),
        pl.BlockSpec((C, D), lambda g: (g, 0)),
    ],
    out_specs=pl.BlockSpec((1, D), lambda g: (0, 0)),
    out_shape=jax.ShapeDtypeStruct((1, D), jnp.float32),
)


def kernel(u, neighs, features):
    hist = _sc_hist(neighs.astype(jnp.int32))
    out = _tc_matvec(hist, features)
    return out[0]

# --- scband reference (transcript-rebuilt; emitter-appended) ---
"""Pipeline reference for scband-aggregator-16707422781624 (READ-ONLY COPY).

The authoritative reference and input builder live on the scoring server;
editing this copy changes nothing except your own understanding.
"""

import jax, jax.numpy as jnp
import numpy as np


def setup_inputs(seed: int = 0) -> dict:
    key = jax.random.key(seed)
    k1, k2 = jax.random.split(key)
    u = 0  # node id, unused in the mean-aggregation math
    neighs = jax.random.randint(k1, (500000,), 0, 100000, dtype=jnp.int64)
    features = jax.random.normal(k2, (100000, 128), dtype=jnp.float32)
    return {"u": u, "neighs": neighs, "features": features}


def reference(u, neighs, features):
    # features acts as the features_map lookup table (Dict[int, Tensor] -> [N, d] table).
    # torch.stack([features_map[v] for v in neighs]) -> gather rows
    neighs_features = jnp.take(features, neighs, axis=0)  # [E, d]
    # agg_method == 'mean'
    h = jnp.mean(neighs_features, axis=0)  # [d]
    return h

if __name__ == "__main__":
    import jax
    _d = setup_inputs()
    print(jax.jit(kernel)(*tuple(_d.values())))

</pallas_src>

<mosaic_0001>
#map = affine_map<(d0, d1) -> (0)>
#map1 = affine_map<(d0, d1) -> (0, 0)>
module attributes {stable_mosaic.version = 14 : i64} {
  func.func @_sc_hist(%arg0: i32, %arg1: i32, %arg2: memref<500000xi32, #tpu.memory_space<hbm>>, %arg3: memref<2x102400xf32, #tpu.memory_space<hbm>>, %arg4: memref<15744xi32, #tpu.memory_space<vmem>>, %arg5: memref<15744xf32, #tpu.memory_space<vmem>>, %arg6: memref<6400xf32, #tpu.memory_space<vmem>>, %arg7: memref<102400xf32, #tpu.memory_space<vmem_shared>>, %arg8: memref<!tpu.dma_semaphore, #tpu.memory_space<semaphore_mem>>) attributes {dimension_semantics = [#tpu.dimension_semantics<core_parallel>, #tpu.dimension_semantics<subcore_parallel>], iteration_bounds = array<i64: 2, 16>, scalar_prefetch = 0 : i64, scratch_operands = 5 : i64, tpu.core_type = #tpu.core_type<sc_vector_subcore>, window_params = [{transform_indices = #map}, {transform_indices = #map1}]} {
    %mul3A = arith.constant 2 : i32
    %mul3A_0 = arith.muli %arg1, %mul3A : i32
    %add3A = arith.addi %mul3A_0, %arg0 : i32
    %lt3A = arith.constant 31 : i32
    %lt3A_1 = arith.cmpi slt, %add3A, %lt3A : i32
    %convert_element_type3A = arith.extui %lt3A_1 : i1 to i32
    %cond3A = arith.constant 0 : i32
    %cond3A_2 = arith.cmpi ne, %convert_element_type3A, %cond3A : i32
    scf.if %cond3A_2 {
      %mul3A_41 = arith.constant 15744 : i32
      %mul3A_42 = arith.muli %add3A, %mul3A_41 : i32
      %dma_start3A = tpu.memref_slice %arg2[%mul3A_42] : memref<500000xi32, #tpu.memory_space<hbm>> -> memref<15744xi32, #tpu.memory_space<hbm>>
      %dma_start3A_43 = tpu.memref_slice %arg2[%mul3A_42] : memref<500000xi32, #tpu.memory_space<hbm>> -> memref<15744xi32, #tpu.memory_space<hbm>>
      tpu.enqueue_dma source(%dma_start3A_43 : memref<15744xi32, #tpu.memory_space<hbm>>) target(%arg4 : memref<15744xi32, #tpu.memory_space<vmem>>) target_semaphore(%arg8 : memref<!tpu.dma_semaphore, #tpu.memory_space<semaphore_mem>>)
    } else {
    }
    %eq3A = arith.constant 31 : i32
    %eq3A_3 = arith.cmpi eq, %add3A, %eq3A : i32
    %convert_element_type3A_4 = arith.extui %eq3A_3 : i1 to i32
    %cond3A_5 = arith.constant 0 : i32
    %cond3A_6 = arith.cmpi ne, %convert_element_type3A_4, %cond3A_5 : i32
    scf.if %cond3A_6 {
      %dma_start3A = arith.constant 0 : i32
      %dma_start3A_41 = tpu.memref_slice %arg4[%dma_start3A] : memref<15744xi32, #tpu.memory_space<vmem>> -> memref<11936xi32, #tpu.memory_space<vmem>>
      %dma_start3A_42 = arith.constant 488064 : i32
      %dma_start3A_43 = tpu.memref_slice %arg2[%dma_start3A_42] : memref<500000xi32, #tpu.memory_space<hbm>> -> memref<11936xi32, #tpu.memory_space<hbm>>
      %dma_start3A_44 = arith.constant 0 : i32
      %dma_start3A_45 = tpu.memref_slice %arg4[%dma_start3A_44] : memref<15744xi32, #tpu.memory_space<vmem>> -> memref<11936xi32, #tpu.memory_space<vmem>>
      %dma_start3A_46 = arith.constant 488064 : i32
      %dma_start3A_47 = tpu.memref_slice %arg2[%dma_start3A_46] : memref<500000xi32, #tpu.memory_space<hbm>> -> memref<11936xi32, #tpu.memory_space<hbm>>
      tpu.enqueue_dma source(%dma_start3A_47 : memref<11936xi32, #tpu.memory_space<hbm>>) target(%dma_start3A_45 : memref<11936xi32, #tpu.memory_space<vmem>>) target_semaphore(%arg8 : memref<!tpu.dma_semaphore, #tpu.memory_space<semaphore_mem>>)
    } else {
    }
    %broadcast_in_dim3A = arith.constant 1.000000e+00 : f32
    %broadcast_in_dim3A_7 = vector.broadcast %broadcast_in_dim3A : f32 to vector<16xf32>
    %broadcast_in_dim3A_8 = arith.constant 0.000000e+00 : f32
    %broadcast_in_dim3A_9 = vector.broadcast %broadcast_in_dim3A_8 : f32 to vector<16xf32>
    %scan3A = arith.constant 0 : i32
    %scan3A_10 = arith.constant 0 : i32
    %scan3A_11 = arith.constant 984 : i32
    %scan3A_12 = arith.addi %scan3A_10, %scan3A_11 : i32
    %scan3A_13 = arith.constant 8 : i32
    %scan3A_14 = scf.for %scan3A_41 = %scan3A_10 to %scan3A_12 step %scan3A_13 iter_args(%scan3A_42 = %scan3A) -> (i32)  : i32 {
      %mul3A_43 = arith.constant 16 : i32
      %mul3A_44 = arith.muli %scan3A_41, %mul3A_43 : i32
      %swap3A = arith.index_cast %mul3A_44 : i32 to index
      %swap3A_45 = tpu.vector_load %arg5[%swap3A] {strides = array<i32>} : memref<15744xf32, #tpu.memory_space<vmem>>, vector<16xf32>,
      tpu.vector_store %arg5[%swap3A], %broadcast_in_dim3A_7 {strides = array<i32>} : memref<15744xf32, #tpu.memory_space<vmem>>, vector<16xf32>,
      %scan3A_46 = arith.constant 0 : i32
      %scan3A_47 = arith.constant 1 : i32
      %scan3A_48 = arith.addi %scan3A_41, %scan3A_47 : i32
      %mul3A_49 = arith.constant 16 : i32
      %mul3A_50 = arith.muli %scan3A_48, %mul3A_49 : i32
      %swap3A_51 = arith.index_cast %mul3A_50 : i32 to index
      %swap3A_52 = tpu.vector_load %arg5[%swap3A_51] {strides = array<i32>} : memref<15744xf32, #tpu.memory_space<vmem>>, vector<16xf32>,
      tpu.vector_store %arg5[%swap3A_51], %broadcast_in_dim3A_7 {strides = array<i32>} : memref<15744xf32, #tpu.memory_space<vmem>>, vector<16xf32>,
      %scan3A_53 = arith.constant 0 : i32
      %scan3A_54 = arith.constant 2 : i32
      %scan3A_55 = arith.addi %scan3A_41, %scan3A_54 : i32
      %mul3A_56 = arith.constant 16 : i32
      %mul3A_57 = arith.muli %scan3A_55, %mul3A_56 : i32
      %swap3A_58 = arith.index_cast %mul3A_57 : i32 to index
      %swap3A_59 = tpu.vector_load %arg5[%swap3A_58] {strides = array<i32>} : memref<15744xf32, #tpu.memory_space<vmem>>, vector<16xf32>,
      tpu.vector_store %arg5[%swap3A_58], %broadcast_in_dim3A_7 {strides = array<i32>} : memref<15744xf32, #tpu.memory_space<vmem>>, vector<16xf32>,
      %scan3A_60 = arith.constant 0 : i32
      %scan3A_61 = arith.constant 3 : i32
      %scan3A_62 = arith.addi %scan3A_41, %scan3A_61 : i32
      %mul3A_63 = arith.constant 16 : i32
      %mul3A_64 = arith.muli %scan3A_62, %mul3A_63 : i32
      %swap3A_65 = arith.index_cast %mul3A_64 : i32 to index
      %swap3A_66 = tpu.vector_load %arg5[%swap3A_65] {strides = array<i32>} : memref<15744xf32, #tpu.memory_space<vmem>>, vector<16xf32>,
      tpu.vector_store %arg5[%swap3A_65], %broadcast_in_dim3A_7 {strides = array<i32>} : memref<15744xf32, #tpu.memory_space<vmem>>, vector<16xf32>,
      %scan3A_67 = arith.constant 0 : i32
      %scan3A_68 = arith.constant 4 : i32
      %scan3A_69 = arith.addi %scan3A_41, %scan3A_68 : i32
      %mul3A_70 = arith.constant 16 : i32
      %mul3A_71 = arith.muli %scan3A_69, %mul3A_70 : i32
      %swap3A_72 = arith.index_cast %mul3A_71 : i32 to index
      %swap3A_73 = tpu.vector_load %arg5[%swap3A_72] {strides = array<i32>} : memref<15744xf32, #tpu.memory_space<vmem>>, vector<16xf32>,
      tpu.vector_store %arg5[%swap3A_72], %broadcast_in_dim3A_7 {strides = array<i32>} : memref<15744xf32, #tpu.memory_space<vmem>>, vector<16xf32>,
      %scan3A_74 = arith.constant 0 : i32
      %scan3A_75 = arith.constant 5 : i32
      %scan3A_76 = arith.addi %scan3A_41, %scan3A_75 : i32
      %mul3A_77 = arith.constant 16 : i32
      %mul3A_78 = arith.muli %scan3A_76, %mul3A_77 : i32
      %swap3A_79 = arith.index_cast %mul3A_78 : i32 to index
      %swap3A_80 = tpu.vector_load %arg5[%swap3A_79] {strides = array<i32>} : memref<15744xf32, #tpu.memory_space<vmem>>, vector<16xf32>,
      tpu.vector_store %arg5[%swap3A_79], %broadcast_in_dim3A_7 {strides = array<i32>} : memref<15744xf32, #tpu.memory_space<vmem>>, vector<16xf32>,
      %scan3A_81 = arith.constant 0 : i32
      %scan3A_82 = arith.constant 6 : i32
      %scan3A_83 = arith.addi %scan3A_41, %scan3A_82 : i32
      %mul3A_84 = arith.constant 16 : i32
      %mul3A_85 = arith.muli %scan3A_83, %mul3A_84 : i32
      %swap3A_86 = arith.index_cast %mul3A_85 : i32 to index
      %swap3A_87 = tpu.vector_load %arg5[%swap3A_86] {strides = array<i32>} : memref<15744xf32, #tpu.memory_space<vmem>>, vector<16xf32>,
      tpu.vector_store %arg5[%swap3A_86], %broadcast_in_dim3A_7 {strides = array<i32>} : memref<15744xf32, #tpu.memory_space<vmem>>, vector<16xf32>,
      %scan3A_88 = arith.constant 0 : i32
      %scan3A_89 = arith.constant 7 : i32
      %scan3A_90 = arith.addi %scan3A_41, %scan3A_89 : i32
      %mul3A_91 = arith.constant 16 : i32
      %mul3A_92 = arith.muli %scan3A_90, %mul3A_91 : i32
      %swap3A_93 = arith.index_cast %mul3A_92 : i32 to index
      %swap3A_94 = tpu.vector_load %arg5[%swap3A_93] {strides = array<i32>} : memref<15744xf32, #tpu.memory_space<vmem>>, vector<16xf32>,
      tpu.vector_store %arg5[%swap3A_93], %broadcast_in_dim3A_7 {strides = array<i32>} : memref<15744xf32, #tpu.memory_space<vmem>>, vector<16xf32>,
      %scan3A_95 = arith.constant 0 : i32
      scf.yield %scan3A_95 : i32
    }
    %scan3A_15 = arith.constant 984 : i32
    %scan3A_16 = arith.constant 0 : i32
    %scan3A_17 = arith.constant 0 : i32
    %scan3A_18 = arith.constant 400 : i32
    %scan3A_19 = arith.addi %scan3A_17, %scan3A_18 : i32
    %scan3A_20 = arith.constant 8 : i32
    %scan3A_21 = scf.for %scan3A_41 = %scan3A_17 to %scan3A_19 step %scan3A_20 iter_args(%scan3A_42 = %scan3A_16) -> (i32)  : i32 {
      %mul3A_43 = arith.constant 16 : i32
      %mul3A_44 = arith.muli %scan3A_41, %mul3A_43 : i32
      %swap3A = arith.index_cast %mul3A_44 : i32 to index
      %swap3A_45 = tpu.vector_load %arg6[%swap3A] {strides = array<i32>} : memref<6400xf32, #tpu.memory_space<vmem>>, vector<16xf32>,
      tpu.vector_store %arg6[%swap3A], %broadcast_in_dim3A_9 {strides = array<i32>} : memref<6400xf32, #tpu.memory_space<vmem>>, vector<16xf32>,
      %scan3A_46 = arith.constant 0 : i32
      %scan3A_47 = arith.constant 1 : i32
      %scan3A_48 = arith.addi %scan3A_41, %scan3A_47 : i32
      %mul3A_49 = arith.constant 16 : i32
      %mul3A_50 = arith.muli %scan3A_48, %mul3A_49 : i32
      %swap3A_51 = arith.index_cast %mul3A_50 : i32 to index
      %swap3A_52 = tpu.vector_load %arg6[%swap3A_51] {strides = array<i32>} : memref<6400xf32, #tpu.memory_space<vmem>>, vector<16xf32>,
      tpu.vector_store %arg6[%swap3A_51], %broadcast_in_dim3A_9 {strides = array<i32>} : memref<6400xf32, #tpu.memory_space<vmem>>, vector<16xf32>,
      %scan3A_53 = arith.constant 0 : i32
      %scan3A_54 = arith.constant 2 : i32
      %scan3A_55 = arith.addi %scan3A_41, %scan3A_54 : i32
      %mul3A_56 = arith.constant 16 : i32
      %mul3A_57 = arith.muli %scan3A_55, %mul3A_56 : i32
      %swap3A_58 = arith.index_cast %mul3A_57 : i32 to index
      %swap3A_59 = tpu.vector_load %arg6[%swap3A_58] {strides = array<i32>} : memref<6400xf32, #tpu.memory_space<vmem>>, vector<16xf32>,
      tpu.vector_store %arg6[%swap3A_58], %broadcast_in_dim3A_9 {strides = array<i32>} : memref<6400xf32, #tpu.memory_space<vmem>>, vector<16xf32>,
      %scan3A_60 = arith.constant 0 : i32
      %scan3A_61 = arith.constant 3 : i32
      %scan3A_62 = arith.addi %scan3A_41, %scan3A_61 : i32
      %mul3A_63 = arith.constant 16 : i32
      %mul3A_64 = arith.muli %scan3A_62, %mul3A_63 : i32
      %swap3A_65 = arith.index_cast %mul3A_64 : i32 to index
      %swap3A_66 = tpu.vector_load %arg6[%swap3A_65] {strides = array<i32>} : memref<6400xf32, #tpu.memory_space<vmem>>, vector<16xf32>,
      tpu.vector_store %arg6[%swap3A_65], %broadcast_in_dim3A_9 {strides = array<i32>} : memref<6400xf32, #tpu.memory_space<vmem>>, vector<16xf32>,
      %scan3A_67 = arith.constant 0 : i32
      %scan3A_68 = arith.constant 4 : i32
      %scan3A_69 = arith.addi %scan3A_41, %scan3A_68 : i32
      %mul3A_70 = arith.constant 16 : i32
      %mul3A_71 = arith.muli %scan3A_69, %mul3A_70 : i32
      %swap3A_72 = arith.index_cast %mul3A_71 : i32 to index
      %swap3A_73 = tpu.vector_load %arg6[%swap3A_72] {strides = array<i32>} : memref<6400xf32, #tpu.memory_space<vmem>>, vector<16xf32>,
      tpu.vector_store %arg6[%swap3A_72], %broadcast_in_dim3A_9 {strides = array<i32>} : memref<6400xf32, #tpu.memory_space<vmem>>, vector<16xf32>,
      %scan3A_74 = arith.constant 0 : i32
      %scan3A_75 = arith.constant 5 : i32
      %scan3A_76 = arith.addi %scan3A_41, %scan3A_75 : i32
      %mul3A_77 = arith.constant 16 : i32
      %mul3A_78 = arith.muli %scan3A_76, %mul3A_77 : i32
      %swap3A_79 = arith.index_cast %mul3A_78 : i32 to index
      %swap3A_80 = tpu.vector_load %arg6[%swap3A_79] {strides = array<i32>} : memref<6400xf32, #tpu.memory_space<vmem>>, vector<16xf32>,
      tpu.vector_store %arg6[%swap3A_79], %broadcast_in_dim3A_9 {strides = array<i32>} : memref<6400xf32, #tpu.memory_space<vmem>>, vector<16xf32>,
      %scan3A_81 = arith.constant 0 : i32
      %scan3A_82 = arith.constant 6 : i32
      %scan3A_83 = arith.addi %scan3A_41, %scan3A_82 : i32
      %mul3A_84 = arith.constant 16 : i32
      %mul3A_85 = arith.muli %scan3A_83, %mul3A_84 : i32
      %swap3A_86 = arith.index_cast %mul3A_85 : i32 to index
      %swap3A_87 = tpu.vector_load %arg6[%swap3A_86] {strides = array<i32>} : memref<6400xf32, #tpu.memory_space<vmem>>, vector<16xf32>,
      tpu.vector_store %arg6[%swap3A_86], %broadcast_in_dim3A_9 {strides = array<i32>} : memref<6400xf32, #tpu.memory_space<vmem>>, vector<16xf32>,
      %scan3A_88 = arith.constant 0 : i32
      %scan3A_89 = arith.constant 7 : i32
      %scan3A_90 = arith.addi %scan3A_41, %scan3A_89 : i32
      %mul3A_91 = arith.constant 16 : i32
      %mul3A_92 = arith.muli %scan3A_90, %mul3A_91 : i32
      %swap3A_93 = arith.index_cast %mul3A_92 : i32 to index
      %swap3A_94 = tpu.vector_load %arg6[%swap3A_93] {strides = array<i32>} : memref<6400xf32, #tpu.memory_space<vmem>>, vector<16xf32>,
      tpu.vector_store %arg6[%swap3A_93], %broadcast_in_dim3A_9 {strides = array<i32>} : memref<6400xf32, #tpu.memory_space<vmem>>, vector<16xf32>,
      %scan3A_95 = arith.constant 0 : i32
      scf.yield %scan3A_95 : i32
    }
    %scan3A_22 = arith.constant 400 : i32
    %mul3A_23 = arith.constant 6400 : i32
    %mul3A_24 = arith.muli %arg1, %mul3A_23 : i32
    "tpu.region"() ({
      %run_scoped3A = tpu.sem_alloc : memref<!tpu.dma_semaphore, #tpu.memory_space<semaphore_mem>>
      %dma_start3A = tpu.memref_slice %arg7[%mul3A_24] : memref<102400xf32, #tpu.memory_space<vmem_shared>> -> memref<6400xf32, #tpu.memory_space<vmem_shared>>
      %dma_start3A_41 = tpu.memref_slice %arg7[%mul3A_24] : memref<102400xf32, #tpu.memory_space<vmem_shared>> -> memref<6400xf32, #tpu.memory_space<vmem_shared>>
      tpu.enqueue_dma source(%arg6 : memref<6400xf32, #tpu.memory_space<vmem>>) target(%dma_start3A_41 : memref<6400xf32, #tpu.memory_space<vmem_shared>>) target_semaphore(%run_scoped3A : memref<!tpu.dma_semaphore, #tpu.memory_space<semaphore_mem>>)
      %dma_wait3A = tpu.memref_slice %arg7[%mul3A_24] : memref<102400xf32, #tpu.memory_space<vmem_shared>> -> memref<6400xf32, #tpu.memory_space<vmem_shared>>
      %dma_wait3A_42 = tpu.memref_slice %arg7[%mul3A_24] : memref<102400xf32, #tpu.memory_space<vmem_shared>> -> memref<6400xf32, #tpu.memory_space<vmem_shared>>
      tpu.wait_dma2 semaphore(%run_scoped3A : memref<!tpu.dma_semaphore, #tpu.memory_space<semaphore_mem>>) src(%arg6 : memref<6400xf32, #tpu.memory_space<vmem>>) dst(%dma_wait3A_42 : memref<6400xf32, #tpu.memory_space<vmem_shared>>)
      tpu.yield
    }) : () -> ()
    %lt3A_25 = arith.constant 31 : i32
    %lt3A_26 = arith.cmpi slt, %add3A, %lt3A_25 : i32
    %convert_element_type3A_27 = arith.extui %lt3A_26 : i1 to i32
    %cond3A_28 = arith.constant 0 : i32
    %cond3A_29 = arith.cmpi ne, %convert_element_type3A_27, %cond3A_28 : i32
    scf.if %cond3A_29 {
      %mul3A_41 = arith.constant 15744 : i32
      %mul3A_42 = arith.muli %add3A, %mul3A_41 : i32
      %dma_wait3A = tpu.memref_slice %arg2[%mul3A_42] : memref<500000xi32, #tpu.memory_space<hbm>> -> memref<15744xi32, #tpu.memory_space<hbm>>
      %dma_wait3A_43 = tpu.memref_slice %arg2[%mul3A_42] : memref<500000xi32, #tpu.memory_space<hbm>> -> memref<15744xi32, #tpu.memory_space<hbm>>
      tpu.wait_dma2 semaphore(%arg8 : memref<!tpu.dma_semaphore, #tpu.memory_space<semaphore_mem>>) src(%dma_wait3A_43 : memref<15744xi32, #tpu.memory_space<hbm>>) dst(%arg4 : memref<15744xi32, #tpu.memory_space<vmem>>)
    } else {
    }
    %eq3A_30 = arith.constant 31 : i32
    %eq3A_31 = arith.cmpi eq, %add3A, %eq3A_30 : i32
    %convert_element_type3A_32 = arith.extui %eq3A_31 : i1 to i32
    %cond3A_33 = arith.constant 0 : i32
    %cond3A_34 = arith.cmpi ne, %convert_element_type3A_32, %cond3A_33 : i32
    scf.if %cond3A_34 {
      %dma_wait3A = arith.constant 0 : i32
      %dma_wait3A_41 = tpu.memref_slice %arg4[%dma_wait3A] : memref<15744xi32, #tpu.memory_space<vmem>> -> memref<11936xi32, #tpu.memory_space<vmem>>
      %dma_wait3A_42 = arith.constant 488064 : i32
      %dma_wait3A_43 = tpu.memref_slice %arg2[%dma_wait3A_42] : memref<500000xi32, #tpu.memory_space<hbm>> -> memref<11936xi32, #tpu.memory_space<hbm>>
      %dma_wait3A_44 = arith.constant 0 : i32
      %dma_wait3A_45 = tpu.memref_slice %arg4[%dma_wait3A_44] : memref<15744xi32, #tpu.memory_space<vmem>> -> memref<11936xi32, #tpu.memory_space<vmem>>
      %dma_wait3A_46 = arith.constant 488064 : i32
      %dma_wait3A_47 = tpu.memref_slice %arg2[%dma_wait3A_46] : memref<500000xi32, #tpu.memory_space<hbm>> -> memref<11936xi32, #tpu.memory_space<hbm>>
      tpu.wait_dma2 semaphore(%arg8 : memref<!tpu.dma_semaphore, #tpu.memory_space<semaphore_mem>>) src(%dma_wait3A_47 : memref<11936xi32, #tpu.memory_space<hbm>>) dst(%dma_wait3A_45 : memref<11936xi32, #tpu.memory_space<vmem>>)
      %iota3A = tpu.iota {dimensions = array<i32: 0>} : vector<16xi32>
      %scan3A_48 = arith.constant 0 : i32
      %scan3A_49 = arith.constant 0 : i32
      %scan3A_50 = arith.constant 232 : i32
      %scan3A_51 = arith.addi %scan3A_49, %scan3A_50 : i32
      %scan3A_52 = arith.constant 8 : i32
      %scan3A_53 = scf.for %scan3A_235 = %scan3A_49 to %scan3A_51 step %scan3A_52 iter_args(%scan3A_236 = %scan3A_48) -> (i32)  : i32 {
        %mul3A_237 = arith.constant 16 : i32
        %mul3A_238 = arith.muli %scan3A_235, %mul3A_237 : i32
        %jit3A_239 = arith.constant 2384 : i32
        %eq3A_240 = arith.constant 0 : i32
        %eq3A_241 = arith.cmpi eq, %jit3A_239, %eq3A_240 : i32
        %jit3A_242 = arith.constant 1 : i32
        %select_n3A_243 = arith.select %eq3A_241, %jit3A_242, %jit3A_239 : i32
        %rem3A_244 = arith.remsi %mul3A_238, %select_n3A_243 : i32
        %ne3A_245 = arith.constant 0 : i32
        %ne3A_246 = arith.cmpi ne, %rem3A_244, %ne3A_245 : i32
        %lt3A_247 = arith.constant 0 : i32
        %lt3A_248 = arith.cmpi slt, %rem3A_244, %lt3A_247 : i32
        %lt3A_249 = arith.constant 0 : i32
        %lt3A_250 = arith.cmpi slt, %select_n3A_243, %lt3A_249 : i32
        %ne3A_251 = arith.xori %lt3A_248, %lt3A_250 : i1
        %and3A_252 = arith.andi %ne3A_251, %ne3A_246 : i1
        %add3A_253 = arith.addi %rem3A_244, %select_n3A_243 : i32
        %select_n3A_254 = arith.select %and3A_252, %add3A_253, %rem3A_244 : i32
        %add3A_255 = arith.constant 100000 : i32
        %add3A_256 = arith.addi %add3A_255, %select_n3A_254 : i32
        %add3A_257 = vector.broadcast %add3A_256 : i32 to vector<16xi32>
        %add3A_258 = arith.addi %add3A_257, %iota3A : vector<16xi32>
        %mul3A_259 = arith.constant 16 : i32
        %mul3A_260 = arith.muli %scan3A_235, %mul3A_259 : i32
        %add3A_261 = arith.constant 11936 : i32
        %add3A_262 = arith.addi %add3A_261, %mul3A_260 : i32
        %swap3A_263 = arith.index_cast %add3A_262 : i32 to index
        %swap3A_264 = tpu.vector_load %arg4[%swap3A_263] {strides = array<i32>} : memref<15744xi32, #tpu.memory_space<vmem>>, vector<16xi32>,
        tpu.vector_store %arg4[%swap3A_263], %add3A_258 {strides = array<i32>} : memref<15744xi32, #tpu.memory_space<vmem>>, vector<16xi32>,
        %scan3A_265 = arith.constant 0 : i32
        %scan3A_266 = arith.constant 1 : i32
        %scan3A_267 = arith.addi %scan3A_235, %scan3A_266 : i32
        %mul3A_268 = arith.constant 16 : i32
        %mul3A_269 = arith.muli %scan3A_267, %mul3A_268 : i32
        %jit3A_270 = arith.constant 2384 : i32
        %eq3A_271 = arith.constant 0 : i32
        %eq3A_272 = arith.cmpi eq, %jit3A_270, %eq3A_271 : i32
        %jit3A_273 = arith.constant 1 : i32
        %select_n3A_274 = arith.select %eq3A_272, %jit3A_273, %jit3A_270 : i32
        %rem3A_275 = arith.remsi %mul3A_269, %select_n3A_274 : i32
        %ne3A_276 = arith.constant 0 : i32
        %ne3A_277 = arith.cmpi ne, %rem3A_275, %ne3A_276 : i32
        %lt3A_278 = arith.constant 0 : i32
        %lt3A_279 = arith.cmpi slt, %rem3A_275, %lt3A_278 : i32
        %lt3A_280 = arith.constant 0 : i32
        %lt3A_281 = arith.cmpi slt, %select_n3A_274, %lt3A_280 : i32
        %ne3A_282 = arith.xori %lt3A_279, %lt3A_281 : i1
        %and3A_283 = arith.andi %ne3A_282, %ne3A_277 : i1
        %add3A_284 = arith.addi %rem3A_275, %select_n3A_274 : i32
        %select_n3A_285 = arith.select %and3A_283, %add3A_284, %rem3A_275 : i32
        %add3A_286 = arith.constant 100000 : i32
        %add3A_287 = arith.addi %add3A_286, %select_n3A_285 : i32
        %add3A_288 = vector.broadcast %add3A_287 : i32 to vector<16xi32>
        %add3A_289 = arith.addi %add3A_288, %iota3A : vector<16xi32>
        %mul3A_290 = arith.constant 16 : i32
        %mul3A_291 = arith.muli %scan3A_267, %mul3A_290 : i32
        %add3A_292 = arith.constant 11936 : i32
        %add3A_293 = arith.addi %add3A_292, %mul3A_291 : i32
        %swap3A_294 = arith.index_cast %add3A_293 : i32 to index
        %swap3A_295 = tpu.vector_load %arg4[%swap3A_294] {strides = array<i32>} : memref<15744xi32, #tpu.memory_space<vmem>>, vector<16xi32>,
        tpu.vector_store %arg4[%swap3A_294], %add3A_289 {strides = array<i32>} : memref<15744xi32, #tpu.memory_space<vmem>>, vector<16xi32>,
        %scan3A_296 = arith.constant 0 : i32
        %scan3A_297 = arith.constant 2 : i32
        %scan3A_298 = arith.addi %scan3A_235, %scan3A_297 : i32
        %mul3A_299 = arith.constant 16 : i32
        %mul3A_300 = arith.muli %scan3A_298, %mul3A_299 : i32
        %jit3A_301 = arith.constant 2384 : i32
        %eq3A_302 = arith.constant 0 : i32
        %eq3A_303 = arith.cmpi eq, %jit3A_301, %eq3A_302 : i32
        %jit3A_304 = arith.constant 1 : i32
        %select_n3A_305 = arith.select %eq3A_303, %jit3A_304, %jit3A_301 : i32
        %rem3A_306 = arith.remsi %mul3A_300, %select_n3A_305 : i32
        %ne3A_307 = arith.constant 0 : i32
        %ne3A_308 = arith.cmpi ne, %rem3A_306, %ne3A_307 : i32
        %lt3A_309 = arith.constant 0 : i32
        %lt3A_310 = arith.cmpi slt, %rem3A_306, %lt3A_309 : i32
        %lt3A_311 = arith.constant 0 : i32
        %lt3A_312 = arith.cmpi slt, %select_n3A_305, %lt3A_311 : i32
        %ne3A_313 = arith.xori %lt3A_310, %lt3A_312 : i1
        %and3A_314 = arith.andi %ne3A_313, %ne3A_308 : i1
        %add3A_315 = arith.addi %rem3A_306, %select_n3A_305 : i32
        %select_n3A_316 = arith.select %and3A_314, %add3A_315, %rem3A_306 : i32
        %add3A_317 = arith.constant 100000 : i32
        %add3A_318 = arith.addi %add3A_317, %select_n3A_316 : i32
        %add3A_319 = vector.broadcast %add3A_318 : i32 to vector<16xi32>
        %add3A_320 = arith.addi %add3A_319, %iota3A : vector<16xi32>
        %mul3A_321 = arith.constant 16 : i32
        %mul3A_322 = arith.muli %scan3A_298, %mul3A_321 : i32
        %add3A_323 = arith.constant 11936 : i32
        %add3A_324 = arith.addi %add3A_323, %mul3A_322 : i32
        %swap3A_325 = arith.index_cast %add3A_324 : i32 to index
        %swap3A_326 = tpu.vector_load %arg4[%swap3A_325] {strides = array<i32>} : memref<15744xi32, #tpu.memory_space<vmem>>, vector<16xi32>,
        tpu.vector_store %arg4[%swap3A_325], %add3A_320 {strides = array<i32>} : memref<15744xi32, #tpu.memory_space<vmem>>, vector<16xi32>,
        %scan3A_327 = arith.constant 0 : i32
        %scan3A_328 = arith.constant 3 : i32
        %scan3A_329 = arith.addi %scan3A_235, %scan3A_328 : i32
        %mul3A_330 = arith.constant 16 : i32
        %mul3A_331 = arith.muli %scan3A_329, %mul3A_330 : i32
        %jit3A_332 = arith.constant 2384 : i32
        %eq3A_333 = arith.constant 0 : i32
        %eq3A_334 = arith.cmpi eq, %jit3A_332, %eq3A_333 : i32
        %jit3A_335 = arith.constant 1 : i32
        %select_n3A_336 = arith.select %eq3A_334, %jit3A_335, %jit3A_332 : i32
        %rem3A_337 = arith.remsi %mul3A_331, %select_n3A_336 : i32
        %ne3A_338 = arith.constant 0 : i32
        %ne3A_339 = arith.cmpi ne, %rem3A_337, %ne3A_338 : i32
        %lt3A_340 = arith.constant 0 : i32
        %lt3A_341 = arith.cmpi slt, %rem3A_337, %lt3A_340 : i32
        %lt3A_342 = arith.constant 0 : i32
        %lt3A_343 = arith.cmpi slt, %select_n3A_336, %lt3A_342 : i32
        %ne3A_344 = arith.xori %lt3A_341, %lt3A_343 : i1
        %and3A_345 = arith.andi %ne3A_344, %ne3A_339 : i1
        %add3A_346 = arith.addi %rem3A_337, %select_n3A_336 : i32
        %select_n3A_347 = arith.select %and3A_345, %add3A_346, %rem3A_337 : i32
        %add3A_348 = arith.constant 100000 : i32
        %add3A_349 = arith.addi %add3A_348, %select_n3A_347 : i32
        %add3A_350 = vector.broadcast %add3A_349 : i32 to vector<16xi32>
        %add3A_351 = arith.addi %add3A_350, %iota3A : vector<16xi32>
        %mul3A_352 = arith.constant 16 : i32
        %mul3A_353 = arith.muli %scan3A_329, %mul3A_352 : i32
        %add3A_354 = arith.constant 11936 : i32
        %add3A_355 = arith.addi %add3A_354, %mul3A_353 : i32
        %swap3A_356 = arith.index_cast %add3A_355 : i32 to index
        %swap3A_357 = tpu.vector_load %arg4[%swap3A_356] {strides = array<i32>} : memref<15744xi32, #tpu.memory_space<vmem>>, vector<16xi32>,
        tpu.vector_store %arg4[%swap3A_356], %add3A_351 {strides = array<i32>} : memref<15744xi32, #tpu.memory_space<vmem>>, vector<16xi32>,
        %scan3A_358 = arith.constant 0 : i32
        %scan3A_359 = arith.constant 4 : i32
        %scan3A_360 = arith.addi %scan3A_235, %scan3A_359 : i32
        %mul3A_361 = arith.constant 16 : i32
        %mul3A_362 = arith.muli %scan3A_360, %mul3A_361 : i32
        %jit3A_363 = arith.constant 2384 : i32
        %eq3A_364 = arith.constant 0 : i32
        %eq3A_365 = arith.cmpi eq, %jit3A_363, %eq3A_364 : i32
        %jit3A_366 = arith.constant 1 : i32
        %select_n3A_367 = arith.select %eq3A_365, %jit3A_366, %jit3A_363 : i32
        %rem3A_368 = arith.remsi %mul3A_362, %select_n3A_367 : i32
        %ne3A_369 = arith.constant 0 : i32
        %ne3A_370 = arith.cmpi ne, %rem3A_368, %ne3A_369 : i32
        %lt3A_371 = arith.constant 0 : i32
        %lt3A_372 = arith.cmpi slt, %rem3A_368, %lt3A_371 : i32
        %lt3A_373 = arith.constant 0 : i32
        %lt3A_374 = arith.cmpi slt, %select_n3A_367, %lt3A_373 : i32
        %ne3A_375 = arith.xori %lt3A_372, %lt3A_374 : i1
        %and3A_376 = arith.andi %ne3A_375, %ne3A_370 : i1
        %add3A_377 = arith.addi %rem3A_368, %select_n3A_367 : i32
        %select_n3A_378 = arith.select %and3A_376, %add3A_377, %rem3A_368 : i32
        %add3A_379 = arith.constant 100000 : i32
        %add3A_380 = arith.addi %add3A_379, %select_n3A_378 : i32
        %add3A_381 = vector.broadcast %add3A_380 : i32 to vector<16xi32>
        %add3A_382 = arith.addi %add3A_381, %iota3A : vector<16xi32>
        %mul3A_383 = arith.constant 16 : i32
        %mul3A_384 = arith.muli %scan3A_360, %mul3A_383 : i32
        %add3A_385 = arith.constant 11936 : i32
        %add3A_386 = arith.addi %add3A_385, %mul3A_384 : i32
        %swap3A_387 = arith.index_cast %add3A_386 : i32 to index
        %swap3A_388 = tpu.vector_load %arg4[%swap3A_387] {strides = array<i32>} : memref<15744xi32, #tpu.memory_space<vmem>>, vector<16xi32>,
        tpu.vector_store %arg4[%swap3A_387], %add3A_382 {strides = array<i32>} : memref<15744xi32, #tpu.memory_space<vmem>>, vector<16xi32>,
        %scan3A_389 = arith.constant 0 : i32
        %scan3A_390 = arith.constant 5 : i32
        %scan3A_391 = arith.addi %scan3A_235, %scan3A_390 : i32
        %mul3A_392 = arith.constant 16 : i32
        %mul3A_393 = arith.muli %scan3A_391, %mul3A_392 : i32
        %jit3A_394 = arith.constant 2384 : i32
        %eq3A_395 = arith.constant 0 : i32
        %eq3A_396 = arith.cmpi eq, %jit3A_394, %eq3A_395 : i32
        %jit3A_397 = arith.constant 1 : i32
        %select_n3A_398 = arith.select %eq3A_396, %jit3A_397, %jit3A_394 : i32
        %rem3A_399 = arith.remsi %mul3A_393, %select_n3A_398 : i32
        %ne3A_400 = arith.constant 0 : i32
        %ne3A_401 = arith.cmpi ne, %rem3A_399, %ne3A_400 : i32
        %lt3A_402 = arith.constant 0 : i32
        %lt3A_403 = arith.cmpi slt, %rem3A_399, %lt3A_402 : i32
        %lt3A_404 = arith.constant 0 : i32
        %lt3A_405 = arith.cmpi slt, %select_n3A_398, %lt3A_404 : i32
        %ne3A_406 = arith.xori %lt3A_403, %lt3A_405 : i1
        %and3A_407 = arith.andi %ne3A_406, %ne3A_401 : i1
        %add3A_408 = arith.addi %rem3A_399, %select_n3A_398 : i32
        %select_n3A_409 = arith.select %and3A_407, %add3A_408, %rem3A_399 : i32
        %add3A_410 = arith.constant 100000 : i32
        %add3A_411 = arith.addi %add3A_410, %select_n3A_409 : i32
        %add3A_412 = vector.broadcast %add3A_411 : i32 to vector<16xi32>
        %add3A_413 = arith.addi %add3A_412, %iota3A : vector<16xi32>
        %mul3A_414 = arith.constant 16 : i32
        %mul3A_415 = arith.muli %scan3A_391, %mul3A_414 : i32
        %add3A_416 = arith.constant 11936 : i32
        %add3A_417 = arith.addi %add3A_416, %mul3A_415 : i32
        %swap3A_418 = arith.index_cast %add3A_417 : i32 to index
        %swap3A_419 = tpu.vector_load %arg4[%swap3A_418] {strides = array<i32>} : memref<15744xi32, #tpu.memory_space<vmem>>, vector<16xi32>,
        tpu.vector_store %arg4[%swap3A_418], %add3A_413 {strides = array<i32>} : memref<15744xi32, #tpu.memory_space<vmem>>, vector<16xi32>,
        %scan3A_420 = arith.constant 0 : i32
        %scan3A_421 = arith.constant 6 : i32
        %scan3A_422 = arith.addi %scan3A_235, %scan3A_421 : i32
        %mul3A_423 = arith.constant 16 : i32
        %mul3A_424 = arith.muli %scan3A_422, %mul3A_423 : i32
        %jit3A_425 = arith.constant 2384 : i32
        %eq3A_426 = arith.constant 0 : i32
        %eq3A_427 = arith.cmpi eq, %jit3A_425, %eq3A_426 : i32
        %jit3A_428 = arith.constant 1 : i32
        %select_n3A_429 = arith.select %eq3A_427, %jit3A_428, %jit3A_425 : i32
        %rem3A_430 = arith.remsi %mul3A_424, %select_n3A_429 : i32
        %ne3A_431 = arith.constant 0 : i32
        %ne3A_432 = arith.cmpi ne, %rem3A_430, %ne3A_431 : i32
        %lt3A_433 = arith.constant 0 : i32
        %lt3A_434 = arith.cmpi slt, %rem3A_430, %lt3A_433 : i32
        %lt3A_435 = arith.constant 0 : i32
        %lt3A_436 = arith.cmpi slt, %select_n3A_429, %lt3A_435 : i32
        %ne3A_437 = arith.xori %lt3A_434, %lt3A_436 : i1
        %and3A_438 = arith.andi %ne3A_437, %ne3A_432 : i1
        %add3A_439 = arith.addi %rem3A_430, %select_n3A_429 : i32
        %select_n3A_440 = arith.select %and3A_438, %add3A_439, %rem3A_430 : i32
        %add3A_441 = arith.constant 100000 : i32
        %add3A_442 = arith.addi %add3A_441, %select_n3A_440 : i32
        %add3A_443 = vector.broadcast %add3A_442 : i32 to vector<16xi32>
        %add3A_444 = arith.addi %add3A_443, %iota3A : vector<16xi32>
        %mul3A_445 = arith.constant 16 : i32
        %mul3A_446 = arith.muli %scan3A_422, %mul3A_445 : i32
        %add3A_447 = arith.constant 11936 : i32
        %add3A_448 = arith.addi %add3A_447, %mul3A_446 : i32
        %swap3A_449 = arith.index_cast %add3A_448 : i32 to index
        %swap3A_450 = tpu.vector_load %arg4[%swap3A_449] {strides = array<i32>} : memref<15744xi32, #tpu.memory_space<vmem>>, vector<16xi32>,
        tpu.vector_store %arg4[%swap3A_449], %add3A_444 {strides = array<i32>} : memref<15744xi32, #tpu.memory_space<vmem>>, vector<16xi32>,
        %scan3A_451 = arith.constant 0 : i32
        %scan3A_452 = arith.constant 7 : i32
        %scan3A_453 = arith.addi %scan3A_235, %scan3A_452 : i32
        %mul3A_454 = arith.constant 16 : i32
        %mul3A_455 = arith.muli %scan3A_453, %mul3A_454 : i32
        %jit3A_456 = arith.constant 2384 : i32
        %eq3A_457 = arith.constant 0 : i32
        %eq3A_458 = arith.cmpi eq, %jit3A_456, %eq3A_457 : i32
        %jit3A_459 = arith.constant 1 : i32
        %select_n3A_460 = arith.select %eq3A_458, %jit3A_459, %jit3A_456 : i32
        %rem3A_461 = arith.remsi %mul3A_455, %select_n3A_460 : i32
        %ne3A_462 = arith.constant 0 : i32
        %ne3A_463 = arith.cmpi ne, %rem3A_461, %ne3A_462 : i32
        %lt3A_464 = arith.constant 0 : i32
        %lt3A_465 = arith.cmpi slt, %rem3A_461, %lt3A_464 : i32
        %lt3A_466 = arith.constant 0 : i32
        %lt3A_467 = arith.cmpi slt, %select_n3A_460, %lt3A_466 : i32
        %ne3A_468 = arith.xori %lt3A_465, %lt3A_467 : i1
        %and3A_469 = arith.andi %ne3A_468, %ne3A_463 : i1
        %add3A_470 = arith.addi %rem3A_461, %select_n3A_460 : i32
        %select_n3A_471 = arith.select %and3A_469, %add3A_470, %rem3A_461 : i32
        %add3A_472 = arith.constant 100000 : i32
        %add3A_473 = arith.addi %add3A_472, %select_n3A_471 : i32
        %add3A_474 = vector.broadcast %add3A_473 : i32 to vector<16xi32>
        %add3A_475 = arith.addi %add3A_474, %iota3A : vector<16xi32>
        %mul3A_476 = arith.constant 16 : i32
        %mul3A_477 = arith.muli %scan3A_453, %mul3A_476 : i32
        %add3A_478 = arith.constant 11936 : i32
        %add3A_479 = arith.addi %add3A_478, %mul3A_477 : i32
        %swap3A_480 = arith.index_cast %add3A_479 : i32 to index
        %swap3A_481 = tpu.vector_load %arg4[%swap3A_480] {strides = array<i32>} : memref<15744xi32, #tpu.memory_space<vmem>>, vector<16xi32>,
        tpu.vector_store %arg4[%swap3A_480], %add3A_475 {strides = array<i32>} : memref<15744xi32, #tpu.memory_space<vmem>>, vector<16xi32>,
        %scan3A_482 = arith.constant 0 : i32
        scf.yield %scan3A_482 : i32
      }
      %scan3A_54 = arith.constant 232 : i32
      %scan3A_55 = arith.addi %scan3A_49, %scan3A_54 : i32
      %mul3A_56 = arith.constant 16 : i32
      %mul3A_57 = arith.muli %scan3A_55, %mul3A_56 : i32
      %jit3A = arith.constant 2384 : i32
      %eq3A_58 = arith.constant 0 : i32
      %eq3A_59 = arith.cmpi eq, %jit3A, %eq3A_58 : i32
      %jit3A_60 = arith.constant 1 : i32
      %select_n3A = arith.select %eq3A_59, %jit3A_60, %jit3A : i32
      %rem3A = arith.remsi %mul3A_57, %select_n3A : i32
      %ne3A = arith.constant 0 : i32
      %ne3A_61 = arith.cmpi ne, %rem3A, %ne3A : i32
      %lt3A_62 = arith.constant 0 : i32
      %lt3A_63 = arith.cmpi slt, %rem3A, %lt3A_62 : i32
      %lt3A_64 = arith.constant 0 : i32
      %lt3A_65 = arith.cmpi slt, %select_n3A, %lt3A_64 : i32
      %ne3A_66 = arith.xori %lt3A_63, %lt3A_65 : i1
      %and3A = arith.andi %ne3A_66, %ne3A_61 : i1
      %add3A_67 = arith.addi %rem3A, %select_n3A : i32
      %select_n3A_68 = arith.select %and3A, %add3A_67, %rem3A : i32
      %add3A_69 = arith.constant 100000 : i32
      %add3A_70 = arith.addi %add3A_69, %select_n3A_68 : i32
      %add3A_71 = vector.broadcast %add3A_70 : i32 to vector<16xi32>
      %add3A_72 = arith.addi %add3A_71, %iota3A : vector<16xi32>
      %mul3A_73 = arith.constant 16 : i32
      %mul3A_74 = arith.muli %scan3A_55, %mul3A_73 : i32
      %add3A_75 = arith.constant 11936 : i32
      %add3A_76 = arith.addi %add3A_75, %mul3A_74 : i32
      %swap3A = arith.index_cast %add3A_76 : i32 to index
      %swap3A_77 = tpu.vector_load %arg4[%swap3A] {strides = array<i32>} : memref<15744xi32, #tpu.memory_space<vmem>>, vector<16xi32>,
      tpu.vector_store %arg4[%swap3A], %add3A_72 {strides = array<i32>} : memref<15744xi32, #tpu.memory_space<vmem>>, vector<16xi32>,
      %scan3A_78 = arith.constant 0 : i32
      %scan3A_79 = arith.constant 233 : i32
      %scan3A_80 = arith.addi %scan3A_49, %scan3A_79 : i32
      %mul3A_81 = arith.constant 16 : i32
      %mul3A_82 = arith.muli %scan3A_80, %mul3A_81 : i32
      %jit3A_83 = arith.constant 2384 : i32
      %eq3A_84 = arith.constant 0 : i32
      %eq3A_85 = arith.cmpi eq, %jit3A_83, %eq3A_84 : i32
      %jit3A_86 = arith.constant 1 : i32
      %select_n3A_87 = arith.select %eq3A_85, %jit3A_86, %jit3A_83 : i32
      %rem3A_88 = arith.remsi %mul3A_82, %select_n3A_87 : i32
      %ne3A_89 = arith.constant 0 : i32
      %ne3A_90 = arith.cmpi ne, %rem3A_88, %ne3A_89 : i32
      %lt3A_91 = arith.constant 0 : i32
      %lt3A_92 = arith.cmpi slt, %rem3A_88, %lt3A_91 : i32
      %lt3A_93 = arith.constant 0 : i32
      %lt3A_94 = arith.cmpi slt, %select_n3A_87, %lt3A_93 : i32
      %ne3A_95 = arith.xori %lt3A_92, %lt3A_94 : i1
      %and3A_96 = arith.andi %ne3A_95, %ne3A_90 : i1
      %add3A_97 = arith.addi %rem3A_88, %select_n3A_87 : i32
      %select_n3A_98 = arith.select %and3A_96, %add3A_97, %rem3A_88 : i32
      %add3A_99 = arith.constant 100000 : i32
      %add3A_100 = arith.addi %add3A_99, %select_n3A_98 : i32
      %add3A_101 = vector.broadcast %add3A_100 : i32 to vector<16xi32>
      %add3A_102 = arith.addi %add3A_101, %iota3A : vector<16xi32>
      %mul3A_103 = arith.constant 16 : i32
      %mul3A_104 = arith.muli %scan3A_80, %mul3A_103 : i32
      %add3A_105 = arith.constant 11936 : i32
      %add3A_106 = arith.addi %add3A_105, %mul3A_104 : i32
      %swap3A_107 = arith.index_cast %add3A_106 : i32 to index
      %swap3A_108 = tpu.vector_load %arg4[%swap3A_107] {strides = array<i32>} : memref<15744xi32, #tpu.memory_space<vmem>>, vector<16xi32>,
      tpu.vector_store %arg4[%swap3A_107], %add3A_102 {strides = array<i32>} : memref<15744xi32, #tpu.memory_space<vmem>>, vector<16xi32>,
      %scan3A_109 = arith.constant 0 : i32
      %scan3A_110 = arith.constant 234 : i32
      %scan3A_111 = arith.addi %scan3A_49, %scan3A_110 : i32
      %mul3A_112 = arith.constant 16 : i32
      %mul3A_113 = arith.muli %scan3A_111, %mul3A_112 : i32
      %jit3A_114 = arith.constant 2384 : i32
      %eq3A_115 = arith.constant 0 : i32
      %eq3A_116 = arith.cmpi eq, %jit3A_114, %eq3A_115 : i32
      %jit3A_117 = arith.constant 1 : i32
      %select_n3A_118 = arith.select %eq3A_116, %jit3A_117, %jit3A_114 : i32
      %rem3A_119 = arith.remsi %mul3A_113, %select_n3A_118 : i32
      %ne3A_120 = arith.constant 0 : i32
      %ne3A_121 = arith.cmpi ne, %rem3A_119, %ne3A_120 : i32
      %lt3A_122 = arith.constant 0 : i32
      %lt3A_123 = arith.cmpi slt, %rem3A_119, %lt3A_122 : i32
      %lt3A_124 = arith.constant 0 : i32
      %lt3A_125 = arith.cmpi slt, %select_n3A_118, %lt3A_124 : i32
      %ne3A_126 = arith.xori %lt3A_123, %lt3A_125 : i1
      %and3A_127 = arith.andi %ne3A_126, %ne3A_121 : i1
      %add3A_128 = arith.addi %rem3A_119, %select_n3A_118 : i32
      %select_n3A_129 = arith.select %and3A_127, %add3A_128, %rem3A_119 : i32
      %add3A_130 = arith.constant 100000 : i32
      %add3A_131 = arith.addi %add3A_130, %select_n3A_129 : i32
      %add3A_132 = vector.broadcast %add3A_131 : i32 to vector<16xi32>
      %add3A_133 = arith.addi %add3A_132, %iota3A : vector<16xi32>
      %mul3A_134 = arith.constant 16 : i32
      %mul3A_135 = arith.muli %scan3A_111, %mul3A_134 : i32
      %add3A_136 = arith.constant 11936 : i32
      %add3A_137 = arith.addi %add3A_136, %mul3A_135 : i32
      %swap3A_138 = arith.index_cast %add3A_137 : i32 to index
      %swap3A_139 = tpu.vector_load %arg4[%swap3A_138] {strides = array<i32>} : memref<15744xi32, #tpu.memory_space<vmem>>, vector<16xi32>,
      tpu.vector_store %arg4[%swap3A_138], %add3A_133 {strides = array<i32>} : memref<15744xi32, #tpu.memory_space<vmem>>, vector<16xi32>,
      %scan3A_140 = arith.constant 0 : i32
      %scan3A_141 = arith.constant 235 : i32
      %scan3A_142 = arith.addi %scan3A_49, %scan3A_141 : i32
      %mul3A_143 = arith.constant 16 : i32
      %mul3A_144 = arith.muli %scan3A_142, %mul3A_143 : i32
      %jit3A_145 = arith.constant 2384 : i32
      %eq3A_146 = arith.constant 0 : i32
      %eq3A_147 = arith.cmpi eq, %jit3A_145, %eq3A_146 : i32
      %jit3A_148 = arith.constant 1 : i32
      %select_n3A_149 = arith.select %eq3A_147, %jit3A_148, %jit3A_145 : i32
      %rem3A_150 = arith.remsi %mul3A_144, %select_n3A_149 : i32
      %ne3A_151 = arith.constant 0 : i32
      %ne3A_152 = arith.cmpi ne, %rem3A_150, %ne3A_151 : i32
      %lt3A_153 = arith.constant 0 : i32
      %lt3A_154 = arith.cmpi slt, %rem3A_150, %lt3A_153 : i32
      %lt3A_155 = arith.constant 0 : i32
      %lt3A_156 = arith.cmpi slt, %select_n3A_149, %lt3A_155 : i32
      %ne3A_157 = arith.xori %lt3A_154, %lt3A_156 : i1
      %and3A_158 = arith.andi %ne3A_157, %ne3A_152 : i1
      %add3A_159 = arith.addi %rem3A_150, %select_n3A_149 : i32
      %select_n3A_160 = arith.select %and3A_158, %add3A_159, %rem3A_150 : i32
      %add3A_161 = arith.constant 100000 : i32
      %add3A_162 = arith.addi %add3A_161, %select_n3A_160 : i32
      %add3A_163 = vector.broadcast %add3A_162 : i32 to vector<16xi32>
      %add3A_164 = arith.addi %add3A_163, %iota3A : vector<16xi32>
      %mul3A_165 = arith.constant 16 : i32
      %mul3A_166 = arith.muli %scan3A_142, %mul3A_165 : i32
      %add3A_167 = arith.constant 11936 : i32
      %add3A_168 = arith.addi %add3A_167, %mul3A_166 : i32
      %swap3A_169 = arith.index_cast %add3A_168 : i32 to index
      %swap3A_170 = tpu.vector_load %arg4[%swap3A_169] {strides = array<i32>} : memref<15744xi32, #tpu.memory_space<vmem>>, vector<16xi32>,
      tpu.vector_store %arg4[%swap3A_169], %add3A_164 {strides = array<i32>} : memref<15744xi32, #tpu.memory_space<vmem>>, vector<16xi32>,
      %scan3A_171 = arith.constant 0 : i32
      %scan3A_172 = arith.constant 236 : i32
      %scan3A_173 = arith.addi %scan3A_49, %scan3A_172 : i32
      %mul3A_174 = arith.constant 16 : i32
      %mul3A_175 = arith.muli %scan3A_173, %mul3A_174 : i32
      %jit3A_176 = arith.constant 2384 : i32
      %eq3A_177 = arith.constant 0 : i32
      %eq3A_178 = arith.cmpi eq, %jit3A_176, %eq3A_177 : i32
      %jit3A_179 = arith.constant 1 : i32
      %select_n3A_180 = arith.select %eq3A_178, %jit3A_179, %jit3A_176 : i32
      %rem3A_181 = arith.remsi %mul3A_175, %select_n3A_180 : i32
      %ne3A_182 = arith.constant 0 : i32
      %ne3A_183 = arith.cmpi ne, %rem3A_181, %ne3A_182 : i32
      %lt3A_184 = arith.constant 0 : i32
      %lt3A_185 = arith.cmpi slt, %rem3A_181, %lt3A_184 : i32
      %lt3A_186 = arith.constant 0 : i32
      %lt3A_187 = arith.cmpi slt, %select_n3A_180, %lt3A_186 : i32
      %ne3A_188 = arith.xori %lt3A_185, %lt3A_187 : i1
      %and3A_189 = arith.andi %ne3A_188, %ne3A_183 : i1
      %add3A_190 = arith.addi %rem3A_181, %select_n3A_180 : i32
      %select_n3A_191 = arith.select %and3A_189, %add3A_190, %rem3A_181 : i32
      %add3A_192 = arith.constant 100000 : i32
      %add3A_193 = arith.addi %add3A_192, %select_n3A_191 : i32
      %add3A_194 = vector.broadcast %add3A_193 : i32 to vector<16xi32>
      %add3A_195 = arith.addi %add3A_194, %iota3A : vector<16xi32>
      %mul3A_196 = arith.constant 16 : i32
      %mul3A_197 = arith.muli %scan3A_173, %mul3A_196 : i32
      %add3A_198 = arith.constant 11936 : i32
      %add3A_199 = arith.addi %add3A_198, %mul3A_197 : i32
      %swap3A_200 = arith.index_cast %add3A_199 : i32 to index
      %swap3A_201 = tpu.vector_load %arg4[%swap3A_200] {strides = array<i32>} : memref<15744xi32, #tpu.memory_space<vmem>>, vector<16xi32>,
      tpu.vector_store %arg4[%swap3A_200], %add3A_195 {strides = array<i32>} : memref<15744xi32, #tpu.memory_space<vmem>>, vector<16xi32>,
      %scan3A_202 = arith.constant 0 : i32
      %scan3A_203 = arith.constant 237 : i32
      %scan3A_204 = arith.addi %scan3A_49, %scan3A_203 : i32
      %mul3A_205 = arith.constant 16 : i32
      %mul3A_206 = arith.muli %scan3A_204, %mul3A_205 : i32
      %jit3A_207 = arith.constant 2384 : i32
      %eq3A_208 = arith.constant 0 : i32
      %eq3A_209 = arith.cmpi eq, %jit3A_207, %eq3A_208 : i32
      %jit3A_210 = arith.constant 1 : i32
      %select_n3A_211 = arith.select %eq3A_209, %jit3A_210, %jit3A_207 : i32
      %rem3A_212 = arith.remsi %mul3A_206, %select_n3A_211 : i32
      %ne3A_213 = arith.constant 0 : i32
      %ne3A_214 = arith.cmpi ne, %rem3A_212, %ne3A_213 : i32
      %lt3A_215 = arith.constant 0 : i32
      %lt3A_216 = arith.cmpi slt, %rem3A_212, %lt3A_215 : i32
      %lt3A_217 = arith.constant 0 : i32
      %lt3A_218 = arith.cmpi slt, %select_n3A_211, %lt3A_217 : i32
      %ne3A_219 = arith.xori %lt3A_216, %lt3A_218 : i1
      %and3A_220 = arith.andi %ne3A_219, %ne3A_214 : i1
      %add3A_221 = arith.addi %rem3A_212, %select_n3A_211 : i32
      %select_n3A_222 = arith.select %and3A_220, %add3A_221, %rem3A_212 : i32
      %add3A_223 = arith.constant 100000 : i32
      %add3A_224 = arith.addi %add3A_223, %select_n3A_222 : i32
      %add3A_225 = vector.broadcast %add3A_224 : i32 to vector<16xi32>
      %add3A_226 = arith.addi %add3A_225, %iota3A : vector<16xi32>
      %mul3A_227 = arith.constant 16 : i32
      %mul3A_228 = arith.muli %scan3A_204, %mul3A_227 : i32
      %add3A_229 = arith.constant 11936 : i32
      %add3A_230 = arith.addi %add3A_229, %mul3A_228 : i32
      %swap3A_231 = arith.index_cast %add3A_230 : i32 to index
      %swap3A_232 = tpu.vector_load %arg4[%swap3A_231] {strides = array<i32>} : memref<15744xi32, #tpu.memory_space<vmem>>, vector<16xi32>,
      tpu.vector_store %arg4[%swap3A_231], %add3A_226 {strides = array<i32>} : memref<15744xi32, #tpu.memory_space<vmem>>, vector<16xi32>,
      %scan3A_233 = arith.constant 0 : i32
      %scan3A_234 = arith.constant 238 : i32
    } else {
    }
    %barrier3A = arith.constant 0 : index
    tpu.barrier barrier_id(%barrier3A)
    "tpu.region"() ({
      %run_scoped3A = tpu.sem_alloc : memref<!tpu.dma_semaphore, #tpu.memory_space<semaphore_mem>>
      %dma_start3A = arith.constant 0 : i32
      %dma_start3A_41 = tpu.memref_slice %arg7[%dma_start3A] : memref<102400xf32, #tpu.memory_space<vmem_shared>> -> memref<102400xf32, #tpu.memory_space<vmem_shared>>
      tpu.enqueue_indirect_dma source(%arg5 : memref<15744xf32, #tpu.memory_space<vmem>>) target(%dma_start3A_41 : memref<102400xf32, #tpu.memory_space<vmem_shared>>) offsets(%arg4 : memref<15744xi32, #tpu.memory_space<vmem>>) semaphore(%run_scoped3A : memref<!tpu.dma_semaphore, #tpu.memory_space<semaphore_mem>>) {add = true}
      %dma_wait3A = arith.constant 0 : i32
      %dma_wait3A_42 = tpu.memref_slice %arg7[%dma_wait3A] : memref<102400xf32, #tpu.memory_space<vmem_shared>> -> memref<102400xf32, #tpu.memory_space<vmem_shared>>
      tpu.wait_indirect_dma semaphore(%run_scoped3A : memref<!tpu.dma_semaphore, #tpu.memory_space<semaphore_mem>>) src(%arg5 : memref<15744xf32, #tpu.memory_space<vmem>>) dst(%dma_wait3A_42 : memref<102400xf32, #tpu.memory_space<vmem_shared>>)
      tpu.yield
    }) : () -> ()
    %barrier3A_35 = arith.constant 0 : index
    tpu.barrier barrier_id(%barrier3A_35)
    %eq3A_36 = arith.constant 0 : i32
    %eq3A_37 = arith.cmpi eq, %arg1, %eq3A_36 : i32
    %convert_element_type3A_38 = arith.extui %eq3A_37 : i1 to i32
    %cond3A_39 = arith.constant 0 : i32
    %cond3A_40 = arith.cmpi ne, %convert_element_type3A_38, %cond3A_39 : i32
    scf.if %cond3A_40 {
      "tpu.region"() ({
        %run_scoped3A = tpu.sem_alloc : memref<!tpu.dma_semaphore, #tpu.memory_space<semaphore_mem>>
        %dma_start3A = arith.constant 0 : i32
        %dma_start3A_41 = tpu.memref_slice %arg3[%arg0, %dma_start3A] : memref<2x102400xf32, #tpu.memory_space<hbm>> -> memref<1x102400xf32, #tpu.memory_space<hbm>>
        %dma_start3A_42 = tpu.memref_squeeze %dma_start3A_41 : memref<1x102400xf32, #tpu.memory_space<hbm>> -> memref<102400xf32, #tpu.memory_space<hbm>>
        tpu.enqueue_dma source(%arg7 : memref<102400xf32, #tpu.memory_space<vmem_shared>>) target(%dma_start3A_42 : memref<102400xf32, #tpu.memory_space<hbm>>) target_semaphore(%run_scoped3A : memref<!tpu.dma_semaphore, #tpu.memory_space<semaphore_mem>>)
        %dma_wait3A = arith.constant 0 : i32
        %dma_wait3A_43 = tpu.memref_slice %arg3[%arg0, %dma_wait3A] : memref<2x102400xf32, #tpu.memory_space<hbm>> -> memref<1x102400xf32, #tpu.memory_space<hbm>>
        %dma_wait3A_44 = tpu.memref_squeeze %dma_wait3A_43 : memref<1x102400xf32, #tpu.memory_space<hbm>> -> memref<102400xf32, #tpu.memory_space<hbm>>
        tpu.wait_dma2 semaphore(%run_scoped3A : memref<!tpu.dma_semaphore, #tpu.memory_space<semaphore_mem>>) src(%arg7 : memref<102400xf32, #tpu.memory_space<vmem_shared>>) dst(%dma_wait3A_44 : memref<102400xf32, #tpu.memory_space<hbm>>)
        tpu.yield
      }) : () -> ()
    } else {
    }
    return
  }
}

module attributes {stable_mosaic.version = 14 : i64} {
  func.func @_tc_body(%arg0: i32, %arg1: memref<2x12800xf32, #tpu.memory_space<vmem>>, %arg2: memref<12800x128xf32, #tpu.memory_space<vmem>>, %arg3: memref<1x128xf32, #tpu.memory_space<vmem>>) attributes {dimension_semantics = [#tpu.dimension_semantics<arbitrary>], iteration_bounds = array<i64: 8>, scalar_prefetch = 0 : i64, scratch_operands = 0 : i64, tpu.core_type = #tpu.core_type<tc>, window_params = [{transform_indices = @transform_0, window_bounds = array<i64: 2, 12800>}, {transform_indices = @transform_1, window_bounds = array<i64: 12800, 128>}, {pipeline_mode = #tpu.pipeline_mode<synchronous>, transform_indices = @transform_2, window_bounds = array<i64: 1, 128>}]} {
    %eq3A = arith.constant 0 : i32
    %eq3A_0 = arith.cmpi eq, %arg0, %eq3A : i32
    %convert_element_type3A = arith.extui %eq3A_0 : i1 to i32
    %cond3A = arith.constant 0 : i32
    %cond3A_1 = arith.cmpi ne, %convert_element_type3A, %cond3A : i32
    scf.if %cond3A_1 {
      %broadcast_in_dim3A_25 = arith.constant 0.000000e+00 : f32
      %broadcast_in_dim3A_26 = vector.broadcast %broadcast_in_dim3A_25 : f32 to vector<1x128xf32>
      %swap3A_27 = arith.constant 0 : index
      %swap3A_28 = arith.constant 0 : index
      %swap3A_29 = vector.load %arg3[%swap3A_27, %swap3A_28] : memref<1x128xf32, #tpu.memory_space<vmem>>, vector<1x128xf32>
      tpu.vector_store %arg3[%swap3A_27, %swap3A_28], %broadcast_in_dim3A_26 {strides = array<i32>} : memref<1x128xf32, #tpu.memory_space<vmem>>, vector<1x128xf32>,
    } else {
    }
    %get3A = arith.constant 0 : index
    %get3A_2 = arith.constant 0 : index
    %get3A_3 = vector.load %arg1[%get3A, %get3A_2] : memref<2x12800xf32, #tpu.memory_space<vmem>>, vector<2x12800xf32>
    %reduce_sum3A = arith.constant dense<0.000000e+00> : vector<12800xf32>
    %reduce_sum3A_4 = vector.multi_reduction <add>, %get3A_3, %reduce_sum3A [0] : vector<2x12800xf32> to vector<12800xf32>
    %broadcast_in_dim3A = vector.shape_cast %reduce_sum3A_4 : vector<12800xf32> to vector<1x12800xf32>
    %get3A_5 = arith.constant 0 : index
    %get3A_6 = arith.constant 0 : index
    %get3A_7 = vector.load %arg2[%get3A_5, %get3A_6] : memref<12800x128xf32, #tpu.memory_space<vmem>>, vector<12800x128xf32>
    %mul3A = arith.constant 12800 : i32
    %mul3A_8 = arith.muli %arg0, %mul3A : i32
    %iota3A = tpu.iota {dimensions = array<i32: 0>} : vector<12800x128xi32>
    %add3A = vector.broadcast %mul3A_8 : i32 to vector<12800x128xi32>
    %add3A_9 = arith.addi %add3A, %iota3A : vector<12800x128xi32>
    %lt3A = arith.constant 100000 : i32
    %lt3A_10 = vector.broadcast %lt3A : i32 to vector<12800x128xi32>
    %lt3A_11 = arith.cmpi slt, %add3A_9, %lt3A_10 : vector<12800x128xi32>
    %jit3A = arith.constant 0.000000e+00 : f32
    %broadcast_in_dim3A_12 = vector.broadcast %jit3A : f32 to vector<12800x128xf32>
    %select_n3A = arith.select %lt3A_11, %get3A_7, %broadcast_in_dim3A_12 : vector<12800x128xi1>, vector<12800x128xf32>
    %get3A_13 = arith.constant 0 : index
    %get3A_14 = arith.constant 0 : index
    %get3A_15 = vector.load %arg3[%get3A_13, %get3A_14] : memref<1x128xf32, #tpu.memory_space<vmem>>, vector<1x128xf32>
    %dot_general3A = arith.constant dense<0.000000e+00> : vector<1x128xf32>
    %dot_general3A_16 = tpu.matmul %broadcast_in_dim3A, %select_n3A, %dot_general3A {dimension_numbers = #tpu.dot_dimension_numbers<[1], [0], [0], [1], [0, 0, 1, 1], [], []>, transpose_lhs_hint = false} : vector<1x12800xf32>, vector<12800x128xf32>, vector<1x128xf32> -> vector<1x128xf32>
    %add3A_17 = arith.addf %get3A_15, %dot_general3A_16 : vector<1x128xf32>
    %swap3A = arith.constant 0 : index
    %swap3A_18 = arith.constant 0 : index
    %swap3A_19 = vector.load %arg3[%swap3A, %swap3A_18] : memref<1x128xf32, #tpu.memory_space<vmem>>, vector<1x128xf32>
    tpu.vector_store %arg3[%swap3A, %swap3A_18], %add3A_17 {strides = array<i32>} : memref<1x128xf32, #tpu.memory_space<vmem>>, vector<1x128xf32>,
    %eq3A_20 = arith.constant 7 : i32
    %eq3A_21 = arith.cmpi eq, %arg0, %eq3A_20 : i32
    %convert_element_type3A_22 = arith.extui %eq3A_21 : i1 to i32
    %cond3A_23 = arith.constant 0 : i32
    %cond3A_24 = arith.cmpi ne, %convert_element_type3A_22, %cond3A_23 : i32
    scf.if %cond3A_24 {
      %get3A_25 = arith.constant 0 : index
      %get3A_26 = arith.constant 0 : index
      %get3A_27 = vector.load %arg3[%get3A_25, %get3A_26] : memref<1x128xf32, #tpu.memory_space<vmem>>, vector<1x128xf32>
      %mul3A_28 = arith.constant 2.000000e-06 : f32
      %mul3A_29 = vector.broadcast %mul3A_28 : f32 to vector<1x128xf32>
      %mul3A_30 = arith.mulf %get3A_27, %mul3A_29 : vector<1x128xf32>
      %swap3A_31 = arith.constant 0 : index
      %swap3A_32 = arith.constant 0 : index
      %swap3A_33 = vector.load %arg3[%swap3A_31, %swap3A_32] : memref<1x128xf32, #tpu.memory_space<vmem>>, vector<1x128xf32>
      tpu.vector_store %arg3[%swap3A_31, %swap3A_32], %mul3A_30 {strides = array<i32>} : memref<1x128xf32, #tpu.memory_space<vmem>>, vector<1x128xf32>,
    } else {
    }
    return
  }
  func.func @transform_0(%arg0: i32) -> (i32, i32) {
    %c0_i32 = arith.constant 0 : i32
    %c0_i32_0 = arith.constant 0 : i32
    return %c0_i32, %arg0 : i32, i32
  }
  func.func @transform_1(%arg0: i32) -> (i32, i32) {
    %c0_i32 = arith.constant 0 : i32
    %c0_i32_0 = arith.constant 0 : i32
    return %arg0, %c0_i32 : i32, i32
  }
  func.func @transform_2(%arg0: i32) -> (i32, i32) {
    %c0_i32 = arith.constant 0 : i32
    %c0_i32_0 = arith.constant 0 : i32
    %c0_i32_1 = arith.constant 0 : i32
    return %c0_i32, %c0_i32_0 : i32, i32
  }
}

</mosaic_0001>

<sc_bundles>
// kernel: kernel.4.cloned.1.call-start
scs
__scs_entry_jumppad:
0x0: {  	(pc) =	sbr.rel $0x88, $3  }
0x1: {  	(tag) =	ssettag $0x0;
	lr =	simm.s32 $0x1  }
0x2: {  	[smem:$0x3F9F] =	sst lr;
	_ =	strace $0xD0000000  }
0x3: {  	_ = 	snop  }
0x4: {  	_ = 	snop  }
0x5: {  	_ = 	snop  }
0x6: {  	_ = 	snop  }
0x7: {  	_ = 	snop  }
__scs_overlays_trampoline_lowered:
0x8: {  	[smem:$0x3FAE] =	sst s0  }
0x9: {  	[smem:$0x3FAF] =	sst s1  }
0xa: {  	[smem:$0x3FB0] =	sst s2  }
0xb: {  	[smem:$0x3FB1] =	sst s3  }
0xc: {  	[smem:$0x3FB2] =	sst s4  }
0xd: {  	[smem:$0x3FB3] =	sst s5  }
0xe: {  	[smem:$0x3FB4] =	sst s6  }
0xf: {  	[smem:$0x3FB5] =	sst s7  }
0x10: {  	[smem:$0x3FB6] =	sst s8  }
0x11: {  	[smem:$0x3FB7] =	sst s9;
	s0 =	simm.s32 @!p0 $0x0  }
0x12: {  	s1 =	sld [smem:$0x3F9D];
	s0 =	simm.s32 @p0 $0x1  }
0x13: {  	[smem:$0x3FB8] =	sst s0;
	s0 =	simm.s32 @!p1 $0x0  }
0x14: {  	s2 =	sld [smem:$0x3F9C];
	s0 =	simm.s32 @p1 $0x1  }
0x15: {  	[smem:$0x3FB9] =	sst s0;
	s0 =	simm.s32 @!p2 $0x0  }
0x16: {  	s3 =	sld [smem:$0x3FDB];
	s0 =	simm.s32 @p2 $0x1  }
0x17: {  	s4 =	simm.s32 $0x1BF5;
	[smem:$0x3FBB] =	sst s0  }
0x18: {  	s0 =	sld [smem:$0x3F9E];
	_ =	swait.ge [sflag:s4], $0x0  }
0x19: {  	s7 =	sld [smem:$0x3F9F]  }
0x1a: {  	s8 =	sadd.s32 $0xFFFFE003, lr  }
0x1b: {  	s9 =	sadd.s32 $0xFFFFFEF7, lr;
	s5 =	simm.s32 $0xFFFFFFFF;
	p2 =	slt.u32 s8, $0xFFFFF086  }
0x1c: {  	p1 =	slt.u32 s9, $0xF7A;
	s5 =	simm.s32 @!p2 $0x0  }
0x1d: {  	s5 =	simm.s32 @p1 $0x1;
	p0 =	seq.s32 s7, s2  }
0x1e: {  	s7 =	smul.u32 @!p0 $0xF7A, s2;
	p2 =	seq.s32 @!p0 s5, $0x0  }
0x1f: {  	s9 =	smul.u32 $0xF7A, s1;
	s8 =	simm.s32 @!p0 $0x1BF5;
	p2 =	por !p2, p0  }
0x20: {  	[sflag:s8] =	ssyncset.s32 @!p0 $0xFFFFF086;
	s6 =	sadd.s32 @!p0 s3, s7;
	s7 =	simm.s32 @!p0 $0x108  }
0x21: {  	s3 =	sadd.s32 s3, s9;
	s6 =	sadd.s32 @!p0 $0x88, s6;
	s7 =	simm.s32 @p2 $0x1082  }
0x22: {  	[simem:s7], [sflag:s8] =	dma.local @!p0 [hbm:s6], $0xF7A  }
0x23: {  	s9 =	sor.u32 $0xD0000000, s2;
	s6 =	simm.s32 $0x108;
	_ =	swait.ge @!p0 [sflag:s8], $0x0  }
0x24: {  	s3 =	sadd.s32 $0x88, s3;
	s6 =	simm.s32 @!p1 $0x1082;
	[sflag:s4] =	ssyncset.s32 $0xFFFFF086  }
0x25: {  	[simem:s6], [sflag:s4] =	dma.local [hbm:s3], $0xF7A  }
0x26: {  	[smem:$0x3F9F] =	sst s1;
	(tag) =	ssettag s2;
	_ =	strace s9  }
0x27: {  	s1 =	sld [smem:$0x3FAF]  }
0x28: {  	s2 =	sld [smem:$0x3FB0]  }
0x29: {  	s4 =	sld [smem:$0x3FB2]  }
0x2a: {  	p0 =	seq.s32 s5, $0x0;
	s5 =	sld [smem:$0x3FB3]  }
0x2b: {  	s6 =	sld [smem:$0x3FB4]  }
0x2c: {  	s7 =	sld [smem:$0x3FB5]  }
0x2d: {  	s3 =	simm.s32 $0x108;
	s8 =	sld [smem:$0x3FB6]  }
0x2e: {  	s3 =	simm.s32 @!p0 $0x1082;
	s9 =	sld [smem:$0x3FB7]  }
0x2f: {  	lr =	sadd.s32 s0, s3;
	s0 =	sld [smem:$0x3FAE]  }
0x30: {  	s3 =	sld [smem:$0x3FB1]  }
0x31: {  	[smem:$0x3FBA] =	sst s10  }
0x32: {  	s10 =	sld [smem:$0x3FB8];
	_ =	sdelay $0x3  }
0x33: {  	p0 =	seq.s32 s10, $0x1;
	s10 =	sld [smem:$0x3FBA];
	_ =	sdelay $0x3  }
0x34: {  	[smem:$0x3FBA] =	sst s10  }
0x35: {  	s10 =	sld [smem:$0x3FB9];
	_ =	sdelay $0x3  }
0x36: {  	p1 =	seq.s32 s10, $0x1;
	s10 =	sld [smem:$0x3FBA];
	_ =	sdelay $0x3  }
0x37: {  	[smem:$0x3FBA] =	sst s10  }
0x38: {  	s10 =	sld [smem:$0x3FBB]  }
0x39: {  	_ = 	snop;
	(pc) =	sbr.ind lr, $3  }
0x3a: {  	_ = 	snop  }
0x3b: {  	_ = 	snop  }
0x3c: {  	p2 =	seq.s32 s10, $0x1;
	s10 =	sld [smem:$0x3FBA]  }
0x3d: {  	_ =	shalt  }
0x3e: {  	_ =	shalt  }
0x3f: {  	_ =	shalt  }
0x40: {  	_ =	shalt  }
0x41: {  	_ =	shalt  }
0x42: {  	_ =	shalt  }
0x43: {  	_ =	shalt  }
0x44: {  	_ =	shalt  }
0x45: {  	_ =	shalt  }
0x46: {  	_ =	shalt  }
0x47: {  	_ =	shalt  }
0x48: {  	_ =	shalt  }
0x49: {  	_ =	shalt  }
0x4a: {  	_ =	shalt  }
0x4b: {  	_ =	shalt  }
0x4c: {  	_ =	shalt  }
0x4d: {  	_ =	shalt  }
0x4e: {  	_ =	shalt  }
0x4f: {  	_ =	shalt  }
0x50: {  	_ =	shalt  }
0x51: {  	_ =	shalt  }
0x52: {  	_ =	shalt  }
0x53: {  	_ =	shalt  }
0x54: {  	_ =	shalt  }
0x55: {  	_ =	shalt  }
0x56: {  	_ =	shalt  }
0x57: {  	_ =	shalt  }
0x58: {  	_ =	shalt  }
0x59: {  	_ =	shalt  }
0x5a: {  	_ =	shalt  }
0x5b: {  	_ =	shalt  }
0x5c: {  	_ =	shalt  }
0x5d: {  	_ =	shalt  }
0x5e: {  	_ =	shalt  }
0x5f: {  	_ =	shalt  }
0x60: {  	_ =	shalt  }
0x61: {  	_ =	shalt  }
0x62: {  	_ =	shalt  }
0x63: {  	_ =	shalt  }
0x64: {  	_ =	shalt  }
0x65: {  	_ =	shalt  }
0x66: {  	_ =	shalt  }
0x67: {  	_ =	shalt  }
0x68: {  	_ =	shalt  }
0x69: {  	_ =	shalt  }
0x6a: {  	_ =	shalt  }
0x6b: {  	_ =	shalt  }
0x6c: {  	_ =	shalt  }
0x6d: {  	_ =	shalt  }
0x6e: {  	_ =	shalt  }
0x6f: {  	_ =	shalt  }
0x70: {  	_ =	shalt  }
0x71: {  	_ =	shalt  }
0x72: {  	_ =	shalt  }
0x73: {  	_ =	shalt  }
0x74: {  	_ =	shalt  }
0x75: {  	_ =	shalt  }
0x76: {  	_ =	shalt  }
0x77: {  	_ =	shalt  }
0x78: {  	_ =	shalt  }
0x79: {  	_ =	shalt  }
0x7a: {  	_ =	shalt  }
0x7b: {  	_ =	shalt  }
0x7c: {  	_ =	shalt  }
0x7d: {  	_ =	shalt  }
0x7e: {  	_ =	shalt  }
0x7f: {  	_ =	shalt  }
0x80: {  	_ =	shalt  }
0x81: {  	_ =	shalt  }
0x82: {  	_ =	shalt  }
0x83: {  	_ =	shalt  }
0x84: {  	_ =	shalt  }
0x85: {  	_ =	shalt  }
0x86: {  	_ =	shalt  }
0x87: {  	_ =	shalt  }
.Lfunc_end0:
.L_simem_size_0:
called_computation_lowered:
.L_overlay_start_0:
0x88: {  	s2 =	sld [smem:$0x3FD9]  }
0x89: {  	s3 =	sld [smem:$0x3FFE];
	_ =	sdelay $0x1  }
0x8a: {  	s1 =	srdreg.scid  }
0x8b: {  	s0 =	sand.u32 $0x1, s1  }
0x8c: {  	s17 =	sshll.u32 s0, $0xA;
	s2 =	sadd.s32 s3, s2  }
0x8d: {  	s2 =	sadd.s32 s2, s17  }
0x8e: {  	[smem:$0x3FC6] =	sst s2  }
0x8f: {  	_ = 	snop  }
0x90: {  	s2 =	sld [smem:$0x3FC9];
	(tm) =	ssettm $0x1  }
0x91: {  	s18 =	sld [smem:$0x3FFB];
	_ =	sdelay $0x3  }
0x92: {  	_ =	strace s18  }
0x93: {  	s3 =	sld [smem:$0x3FFC];
	_ =	sdelay $0x3  }
0x94: {  	_ =	strace s3  }
0x95: {  	s3 =	sld [smem:$0x3FFD];
	_ =	sdelay $0x3  }
0x96: {  	_ =	strace s3  }
0x97: {  	_ =	strace $0x8FFFFFFF  }
0x98: {  	s19 =	sld [smem:$0x3FDB];
	_ =	sdelay $0x1  }
0x99: {  	s4 =	simm.s32 $_scs_section_size  }
0x9a: {  	s5 =	simm.s32 $_size__tile_overlayer_lowered;
	s6 =	simm.s32 $_tile_overlayer_lowered  }
0x9b: {  	s22 =	simm.s32 $0x1BFF;
	s21 =	sshll.u32 s6, $0x1;
	s3 =	sadd.s32 s4, s19  }
0x9c: {  	s7 =	simm.s32 $0x0;
	s20 =	sshll.u32 s5, $0x1;
	s5 =	sadd.s32 s21, s3  }
0x9d: {  	[timem:s7], [sflag:s22] =	dma.local [hbm:s5], s20  }
0x9e: {  	_ =	swait.ge [sflag:s22], s20  }
0x9f: {  	s4 =	ssub.s32 $0x0, s20;
	[sflag:s22] =	ssyncset.done $0x0  }
0xa0: {  	[sflag:s22] =	ssyncadd.s32 s4;
	_ =	sdelay $0x1  }
0xa1: {  	s23 =	simm.s32 $0x1B8B  }
0xa2: {  	_ =	swait.ge [sflag:s23], $0x1  }
0xa3: {  	[sflag:s23] =	ssyncset.done $0x0  }
0xa4: {  	s25 =	simm.s32 $0x1B8E;
	s24 =	sld [smem:$0x3FFE];
	[sflag:s23] =	ssyncadd.s32 $0xFFFFFFFF  }
0xa5: {  	s26 =	simm.s32 $execute0_lowered;
	[smem:$0x3FD2] =	sst s25  }
0xa6: {  	s5 =	sshll.u32 s26, $0x1;
	_ =	strace $0x80000046;
	[dreg:$0x1] =	wrdreg $0xFFFFFFFF  }
0xa7: {  	s28 =	simm.s32 $_size_execute0_lowered;
	s3 =	sadd.s32 s3, s5;
	[dreg:$0x0] =	wrdreg $0x0  }
0xa8: {  	s5 =	sshll.u32 s28, $0x1;
	[dreg:$0x2] =	wrdreg s3  }
0xa9: {  	[dreg:$0x3] =	wrdreg s5  }
0xaa: {  	[dreg:$0x4] =	wrdreg $0xC0  }
0xab: {  	_ =	task [dreg:s7], $0x5FFFF  }
0xac: {  	[dreg:$0x1] =	wrdreg $0xFFFFFFFF  }
0xad: {  	[dreg:$0x0] =	wrdreg $0x60  }
0xae: {  	[dreg:$0x2] =	wrdreg s2  }
0xaf: {  	[dreg:$0x3] =	wrdreg s24  }
0xb0: {  	[dreg:$0x4] =	wrdreg $0x94000  }
0xb1: {  	[dreg:$0x5] =	wrdreg $0x9  }
0xb2: {  	_ =	task.clear_ibuf [dreg:s7], $0x6FFFF;
	_ =	strace $0x90000046  }
0xb3: {  	s29 =	simm.s32 $0x9;
	_ =	strace $0x80000048  }
0xb4: {  	_ =	swait.ge [sflag:s29], $0x1  }
0xb5: {  	[sflag:s29] =	ssyncadd.s32 $0xFFFFFFFF  }
0xb6: {  	_ =	strace $0x90000048  }
0xb7: {  	_ =	sfence  }
0xb8: {  	s30 =	sld [smem:$0x0];
	_ =	sdelay $0x2  }
0xb9: {  	s31 =	sshll.u32 s1, $0xD;
	s1 =	sshrl.u32 s1, $0x2  }
0xba: {  	s3 =	sand.u32 $0x4000, s31;
	s1 =	sadd.s32 s1, s30  }
0xbb: {  	s0 =	sor.u32 s3, s0;
	s1 =	sshll.u32 s1, $0x11  }
0xbc: {  	s0 =	sor.u32 s1, s0  }
0xbd: {  	s0 =	sadd.s32 $0x8F2B, s0  }
0xbe: {  	[sflag:s0] =	ssyncadd.remote.s32 $0x1  }
0xbf: {  	_ =	sfence.sel $0xFFFF  }
0xc0: {  	[dreg:$0x0] =	wrdreg $0xFFFFFFFF;
	(pc) =	sbr.abs _section_cstart, $3  }
0xc1: {  	[dreg:$0x1] =	wrdreg $0xFFFFFFFF  }
0xc2: {  	_ =	task.clear_ibuf [dreg:s7], $0x2FFFF;
	_ =	strace $0x9FFFFFFF  }
0xc3: {  	(tm) =	ssettm $0x7FFFFFFF  }
tec
execute0_lowered:
.L_overlay_start_1:
0x0: {  	(tag) =	ssettag $0x1  }
0x1: {  	s4 =	rddreg [dreg:$0x0]  }
0x2: {  	s3 =	rddreg [dreg:$0x1];
	s0 =	srdreg.scid  }
0x3: {  	s11 =	stileid.u32;
	s1 =	rddreg [dreg:$0x2]  }
0x4: {  	s2 =	simm.s32 $0x0;
	s5 =	sand.u32 $0x1, s0;
	s0 =	rddreg [dreg:$0x3]  }
0x5: {  	s31 =	simm.s32 $0x186A0;
	s6 =	sshll.u32 s11, $0x1;
	[smem:$0x7FF] =	sst s2  }
0x6: {  	s10 =	smul.u32 $0x6400, s11;
	p2 =	sne.s32 s11, $0x0;
	s11 =	simm.s32 $0x3D80  }
0x7: {  	s8 =	sor.u32 s5, s6;
	s29 =	ssub.s32 $0x2, s5;
	s5 =	sshll.u32 s5, $0x4  }
0x8: {  	_ =	strace $0x80000047;
	[dreg:$0x4] =	wrdreg s31;
	s7 =	smul.u32 $0x7B0, s8  }
0x9: {  	s9 =	sshrl.u32 s29, $0x1;
	s12 =	sadd.s32 s5, s3;
	s30 =	sshrl.u32 s10, $0x2  }
0xa: {  	p1 =	seq.s32 s8, $0x1F;
	s8 =	simm.s32 $0x7B00;
	s10 =	simm.s32 $0x1  }
.Ltmp0:
0xb: {  	s9 =	ssub.s32 s29, s9;
	s13 =	simm.s32 @!p1 $0x0;
	(pc) =	sbr.rel .LBB2_1-.Ltmp0, $4  }
0xc: {  	s5 =	sadd.s32 s30, s1;
	s6 =	sadd.s32 $0x600, s12;
	s13 =	simm.s32 @p1 $0x1  }
0xd: {  	v0 =	vimm.f32 $1.000000000e+00;
	v1 =	vimm.f32 $0.0e+00;
	v2 =	vlaneseq.u32;
	s12 =	simm.s32 $0x0;
	[smem:$0x7FC] =	sst s13;
	s13 =	simm.s32 @!p2 $0x0  }
0xe: {  	v3 =	vor.u32 $0x18BD0, v2;
	v4 =	vor.u32 $0x18BE0, v2;
	v5 =	vor.u32 $0x18BF0, v2;
	s3 =	sadd.s32 s4, s7;
	s4 =	sadd.s32 $0xEE50, s4;
	s13 =	simm.s32 @p2 $0x1  }
0xf: {  	v6 =	vor.u32 $0x18C00, v2;
	v7 =	vor.u32 $0x18C10, v2;
	v8 =	vor.u32 $0x18C20, v2;
	s7 =	smax.u32 s9, $0x1;
	s9 =	simm.s32 $0x2;
	[smem:$0x7FD] =	sst s13  }
.LBB2_6:
0x10: {  	_ =	swait.ge [sflag:s10], $0x3D80  }
0x11: {  	[sflag:s10] =	ssyncset.done $0x0  }
0x12: {  	[sflag:s10] =	ssyncadd.s32 $0xFFFFC280  }
.LBB2_10:
0x13: {  	[bflag:$0x0] =	sbarrier.arrive $0xFFFF  }
0x14: {  	[spmem:s1] =	stream.indirect.scatter.add.f32 [tilespmem:s11], [sflag:$0x2], $0x1, s2, s11, $0xb8;
	[tilespmem:$0xAD00] =	vst v63  }
0x15: {  	s13 =	sshrl.u32 @!p2 s1, $0x3;
	_ =	swait.ge [sflag:s9], $0x3D80  }
0x16: {  	s14 =	simm.s32 @!p2 $0x1;
	s15 =	simm.s32 @!p2 $0x20;
	[sflag:s9] =	ssyncset.done $0x0  }
0x17: {  	s16 =	simm.s32 @!p2 $0x10;
	s12 =	sadd.s32 $0x1, s12;
	[sflag:s9] =	ssyncadd.s32 $0xFFFFC280  }
0x18: {  	s17 =	simm.s32 @!p2 $0x1C02;
	p0 =	sne.s32 s12, s7;
	[bflag:$0x0] =	sbarrier.arrive $0xFFFF  }
0x19: {  	[hbm:s6@s15], [sflag:s17] =	dma.strided @!p2 [spmem:s13@s16], $0x3200, s14, $0x10   }
.Ltmp1:
0x1a: {  	_ = 	snop;
	(pc) =	sbr.rel @!p0 .LBB2_11-.Ltmp1, $4  }
0x1b: {  	s13 =	simm.s32 @!p2 $0x2  }
0x1c: {  	_ =	swait.ge @!p2 [sflag:s13], $0x3200  }
0x1d: {  	[sflag:s13] =	ssyncset.done @!p2 $0x0  }
0x1e: {  	[sflag:s13] =	ssyncadd.s32 @!p2 $0xFFFFCE00  }
.LBB2_1:
0x1f: {  	s13 =	simm.s32 @p1 $0x0  }
0x20: {  	[tilespmem:s13], [sflag:$0x1] =	stream.linear.gather @p1 [hbm4b:s4+s13], $0x2EA0, $0x38;
	[tilespmem:$0xAD00] =	vst v63  }
0x21: {  	s14 =	simm.s32 $0x3DC0;
	s13 =	simm.s32 @!p1 $0x0  }
0x22: {  	[tilespmem:s13], [sflag:$0x1] =	stream.linear.gather @!p1 [hbm4b:s3+s13], $0x3D80, $0x38;
	[tilespmem:$0xAD00] =	vst v63  }
0x23: {  	[tilespmem:s14+$0xFFFFFFC0] =	vst v0  }
0x24: {  	[tilespmem:s14+$0x30] =	vst v0  }
0x25: {  	[tilespmem:s14+$0x20] =	vst v0  }
0x26: {  	[tilespmem:s14+$0x10] =	vst v0  }
0x27: {  	[tilespmem:s14+$0x0] =	vst v0  }
0x28: {  	[tilespmem:s14+$0xFFFFFFF0] =	vst v0  }
0x29: {  	s15 =	simm.s32 $0x0;
	[tilespmem:s14+$0xFFFFFFE0] =	vst v0  }
.LBB2_2:
0x2a: {  	s15 =	sadd.s32 $0x8, s15;
	[tilespmem:s14+$0xFFFFFFD0] =	vst v0;
	s14 =	sadd.s32 $0x80, s14;
	s13 =	simm.s32 $0x7B40  }
0x2b: {  	[tilespmem:s14+$0xFFFFFFC0] =	vst v0;
	p0 =	slt.u32 s15, $0x3D0  }
0x2c: {  	[tilespmem:s14+$0x30] =	vst v0  }
.Ltmp2:
0x2d: {  	[tilespmem:s14+$0x20] =	vst v0;
	(pc) =	sbr.rel @p0 .LBB2_2-.Ltmp2, $4  }
0x2e: {  	[tilespmem:s14+$0x10] =	vst v0  }
0x2f: {  	[tilespmem:s14+$0x0] =	vst v0  }
0x30: {  	[tilespmem:s14+$0xFFFFFFF0] =	vst v0  }
0x31: {  	[tilespmem:s14+$0xFFFFFFE0] =	vst v0  }
0x32: {  	[tilespmem:s14+$0xFFFFFFD0] =	vst v0  }
0x33: {  	[tilespmem:s13+$0xFFFFFFC0] =	vst v1  }
0x34: {  	[tilespmem:s13+$0x30] =	vst v1  }
0x35: {  	[tilespmem:s13+$0x20] =	vst v1  }
0x36: {  	[tilespmem:s13+$0x10] =	vst v1  }
0x37: {  	[tilespmem:s13+$0x0] =	vst v1  }
0x38: {  	[tilespmem:s13+$0xFFFFFFF0] =	vst v1  }
0x39: {  	s14 =	simm.s32 $0x0;
	[tilespmem:s13+$0xFFFFFFE0] =	vst v1  }
.LBB2_4:
0x3a: {  	s14 =	sadd.s32 $0x8, s14;
	[tilespmem:s13+$0xFFFFFFD0] =	vst v1;
	s13 =	sadd.s32 $0x80, s13  }
0x3b: {  	[tilespmem:s13+$0xFFFFFFC0] =	vst v1;
	p0 =	slt.u32 s14, $0x188  }
0x3c: {  	[tilespmem:s13+$0x30] =	vst v1  }
.Ltmp3:
0x3d: {  	[tilespmem:s13+$0x20] =	vst v1;
	(pc) =	sbr.rel @p0 .LBB2_4-.Ltmp3, $4  }
0x3e: {  	[tilespmem:s13+$0x10] =	vst v1  }
0x3f: {  	[tilespmem:s13+$0x0] =	vst v1  }
0x40: {  	[tilespmem:s13+$0xFFFFFFF0] =	vst v1  }
0x41: {  	[tilespmem:s13+$0xFFFFFFE0] =	vst v1  }
.Ltmp4:
0x42: {  	[tilespmem:s13+$0xFFFFFFD0] =	vst v1;
	(pc) =	sbr.rel @!p1 .LBB2_6-.Ltmp4, $4  }
0x43: {  	[spmem:s5] =	stream.linear.scatter [tilespmem:s8], [sflag:$0x2], $0x1900, $0x38;
	[tilespmem:$0xAD00] =	vst v63  }
0x44: {  	_ =	swait.ge [sflag:s9], $0x1900  }
0x45: {  	[sflag:s9] =	ssyncset.done $0x0  }
0x46: {  	[sflag:s9] =	ssyncadd.s32 $0xFFFFE700  }
0x47: {  	_ =	swait.ge [sflag:s10], $0x2EA0;
	p0 =	por $0x1, $0x1  }
0x48: {  	s14 =	simm.s32 $0x70;
	s13 =	simm.s32 $0x2F10;
	s15 =	simm.s32 $0x0  }
0x49: {  	s17 =	simm.s32 $0x10;
	s18 =	simm.s32 $0x20;
	s20 =	simm.s32 $0x30  }
0x4a: {  	s21 =	simm.s32 $0x40;
	s22 =	simm.s32 $0x50;
	s23 =	simm.s32 $0x60  }
0x4b: {  	p2 =	por $0x1, $0x1;
	p3 =	por $0x1, $0x1;
	p4 =	por $0x1, $0x1  }
0x4c: {  	p5 =	por $0x1, $0x1;
	p1 =	por $0x1, $0x1;
	s24 =	simm.s32 $0xFFFFF6C0  }
0x4d: {  	s25 =	simm.s32 $0xFFFFF6D0;
	s26 =	simm.s32 $0xFFFFF6E0;
	s28 =	simm.s32 $0xFFFFF6F0  }
0x4e: {  	s30 =	simm.s32 $0xFFFFF720;
	s16 =	rddreg [dreg:$0x4];
	[sflag:s10] =	ssyncset.done $0x0  }
0x4f: {  	s24 =	smov.u32 @p2 s17;
	s17 =	simm.s32 $0xFFFFF710;
	s25 =	smov.u32 @p3 s18  }
0x50: {  	s26 =	smov.u32 @p4 s20;
	s28 =	smov.u32 @p5 s21;
	s16 =	simm.s32 @!p0 $0x17D50  }
0x51: {  	s18 =	smin.u32 s14, s30;
	[sflag:s10] =	ssyncadd.s32 $0xFFFFD160;
	s16 =	sadd.s32 $0x70, s16  }
0x52: {  	p0 =	por $0x1, $0x1;
	s31 =	sadd.s32 $0x186A0, s24;
	s19 =	sadd.s32 $0xFFFFFF90, s16  }
0x53: {  	s17 =	smov.u32 @p1 s23;
	s20 =	sadd.s32 $0x186A0, s25;
	s16 =	simm.s32 $0xFFFFF700;
	v9 =	vor.u32 s19, v2  }
0x54: {  	s21 =	sadd.s32 $0x186A0, s26;
	s16 =	smov.u32 @p0 s22;
	s19 =	sadd.s32 $0x186A0, s28;
	[tilespmem:s13+$0xFFFFFF90] =	vst v9;
	v9 =	vor.u32 s31, v2  }
.LBB2_8:
0x55: {  	s22 =	rddreg [dreg:$0x4]  }
0x56: {  	[tilespmem:s13+$0xFFFFFFA0] =	vst v9;
	v9 =	vor.u32 s20, v2;
	s16 =	sadd.s32 $0x186A0, s16;
	s17 =	sadd.s32 $0x186A0, s17;
	s15 =	sadd.s32 $0x8, s15  }
0x57: {  	v10 =	vor.u32 s21, v2;
	s28 =	sadd.s32 $0x186A0, s18;
	s14 =	sadd.s32 $0x80, s14;
	[tilespmem:s13+$0xFFFFFFB0] =	vst v9;
	p0 =	slt.u32 s15, $0x95  }
0x58: {  	v11 =	vor.u32 s19, v2;
	p2 =	slt.u32 s15, $0xE0;
	[tilespmem:s13+$0xFFFFFFC0] =	vst v10;
	s18 =	sadd.s32 $0xFFFFFFA0, s14;
	s19 =	sadd.s32 $0xFFFFFFB0, s14  }
0x59: {  	v9 =	vor.u32 s16, v2;
	[tilespmem:s13+$0xFFFFFFD0] =	vst v11;
	s20 =	sadd.s32 $0xFFFFFFC0, s14;
	s21 =	sadd.s32 $0xFFFFFFD0, s14;
	s23 =	sadd.s32 $0xFFFFFFF0, s14  }
0x5a: {  	v12 =	vor.u32 s17, v2;
	s24 =	sadd.s32 $0xFFFFF650, s14;
	s25 =	sadd.s32 $0xFFFFF660, s14;
	s26 =	sadd.s32 $0xFFFFF670, s14;
	[tilespmem:s13+$0xFFFFFFE0] =	vst v9  }
0x5b: {  	v10 =	vor.u32 s28, v2;
	s28 =	sadd.s32 $0xFFFFF680, s14;
	s17 =	sadd.s32 $0xFFFFF6A0, s14;
	s30 =	sadd.s32 $0xFFFFF6B0, s14;
	[tilespmem:s13+$0xFFFFFFF0] =	vst v12  }
0x5c: {  	s22 =	simm.s32 @!p0 $0x17D50;
	[tilespmem:s13+$0x0] =	vst v10;
	s13 =	sadd.s32 $0x80, s13;
	p0 =	slt.u32 s18, $0x950  }
0x5d: {  	p1 =	slt.u32 s19, $0x950;
	p5 =	slt.u32 s20, $0x950;
	p6 =	slt.u32 s21, $0x950  }
0x5e: {  	p4 =	slt.u32 s23, $0x950;
	s29 =	sadd.s32 s14, s22;
	s22 =	sadd.s32 $0xFFFFFFE0, s14  }
.Ltmp5:
0x5f: {  	s24 =	smov.u32 @p0 s18;
	s25 =	smov.u32 @p1 s19;
	(pc) =	sbr.rel @p2 .LBB2_8-.Ltmp5, $4  }
0x60: {  	s26 =	smov.u32 @p5 s20;
	s28 =	smov.u32 @p6 s21;
	s18 =	smin.u32 s14, s30  }
0x61: {  	s17 =	smov.u32 @p4 s23;
	s16 =	sadd.s32 $0xFFFFFF90, s29;
	p3 =	slt.u32 s22, $0x950  }
0x62: {  	s31 =	sadd.s32 $0x186A0, s24;
	s20 =	sadd.s32 $0x186A0, s25;
	v9 =	vor.u32 s16, v2;
	s16 =	sadd.s32 $0xFFFFF690, s14  }
0x63: {  	s21 =	sadd.s32 $0x186A0, s26;
	s19 =	sadd.s32 $0x186A0, s28;
	[tilespmem:s13+$0xFFFFFF90] =	vst v9;
	s16 =	smov.u32 @p3 s22;
	v9 =	vor.u32 s31, v2  }
0x64: {  	[tilespmem:s13+$0xFFFFFFA0] =	vst v9;
	v9 =	vor.u32 s20, v2  }
0x65: {  	v10 =	vor.u32 s21, v2;
	[tilespmem:s13+$0xFFFFFFB0] =	vst v9  }
0x66: {  	s14 =	sadd.s32 $0x186A0, s16;
	v9 =	vor.u32 s19, v2;
	[tilespmem:s13+$0xFFFFFFC0] =	vst v10  }
0x67: {  	s15 =	sadd.s32 $0x186A0, s17;
	v10 =	vor.u32 s14, v2;
	[tilespmem:s13+$0xFFFFFFD0] =	vst v9  }
0x68: {  	s29 =	sadd.s32 $0x186A0, s18;
	v9 =	vor.u32 s15, v2;
	[tilespmem:s13+$0xFFFFFFE0] =	vst v10  }
0x69: {  	v10 =	vor.u32 s29, v2;
	[tilespmem:s13+$0xFFFFFFF0] =	vst v9  }
0x6a: {  	[tilespmem:s13+$0x0] =	vst v10  }
0x6b: {  	[tilespmem:$0x3D20] =	vst v3  }
.Ltmp6:
0x6c: {  	s30 =	sld [smem:$0x7FC];
	[tilespmem:$0x3D30] =	vst v4;
	(pc) =	sbr.rel .LBB2_10-.Ltmp6, $4  }
0x6d: {  	s31 =	sld [smem:$0x7FD];
	[tilespmem:$0x3D40] =	vst v5  }
0x6e: {  	[tilespmem:$0x3D50] =	vst v6  }
0x6f: {  	[tilespmem:$0x3D60] =	vst v7  }
0x70: {  	p1 =	seq.s32 s30, $0x1;
	p2 =	seq.s32 s31, $0x1;
	[tilespmem:$0x3D70] =	vst v8  }
.LBB2_11:
0x71: {  	_ =	sfence.sel $0x180000  }
0x72: {  	[bflag:$0x0] =	sbarrier.arrive $0xFFFF  }
0x73: {  	_ =	strace $0x90000047  }
0x74: {  	s0 =	sadd.s32 @!p2 $0x100000, s0;
	[bflag:$0x2] =	sbarrier.arrive $0xFFFF  }
0x75: {  	[sflag:s0] =	ssyncadd.tile.s32 @!p2 $0x1;
	_ =	shalt  }
.Lfunc_end2:
_tile_overlayer_lowered:
.L_overlay_start_2:
0x76: {  	(tag) =	ssettag $0x2  }
0x77: {  	s0 =	rddreg [dreg:$0x0];
	s2 =	stileid.u32  }
0x78: {  	s1 =	rddreg [dreg:$0x1];
	p0 =	sne.s32 s2, $0x0  }
0x79: {  	s3 =	rddreg [dreg:$0x2];
	[bflag:$0x3] =	sbarrier.arrive $0xFFFF;
	s2 =	simm.s32 @!p0 $0x1C02  }
0x7a: {  	[timem:s3], [sflag:s2] =	dma.local @!p0 [hbm:s0], s1  }
0x7b: {  	s0 =	simm.s32 @!p0 $0x2  }
0x7c: {  	_ =	swait.ge @!p0 [sflag:s0], s1  }
0x7d: {  	s1 =	ssub.s32 @!p0 $0x0, s1;
	[sflag:s0] =	ssyncset.done @!p0 $0x0  }
0x7e: {  	[sflag:s0] =	ssyncadd.s32 @!p0 s1  }
0x7f: {  	[bflag:$0x3] =	sbarrier.arrive $0xFFFF  }
0x80: {  	_ =	shalt  }

</sc_bundles>
